<compile_context>
chip_gen: v7x
topology: tpu7x:2x2x1
jax: 0.10.2.dev20260603
libtpu: 0.0.44.dev20260713+nightly
codegen_flags: <defaults>
</compile_context>

<pallas_src>
import functools

import jax
import jax.numpy as jnp
from jax import lax
from jax.experimental import pallas as pl
from jax.experimental.pallas import tpu as pltpu
from jax.experimental.pallas import tpu_sc as plsc


def _build(B, L, V, D, NC, NS):
  NW = NC * NS
  BW = B // NW
  SPANS = ((0, 96), (96, L - 96))

  mesh = plsc.VectorSubcoreMesh(core_axis_name="c", subcore_axis_name="s")

  @functools.partial(
      pl.kernel,
      mesh=mesh,
      compiler_params=pltpu.CompilerParams(use_tc_tiling_on_sc=False),
      out_type=jax.ShapeDtypeStruct((B, L, D), jnp.float32),
      scratch_types=[
          pltpu.VMEM((BW, L), jnp.int32),
          pltpu.VMEM((L, D), jnp.float32),
          pltpu.VMEM((L, D), jnp.float32),
          pltpu.VMEM((L, D), jnp.float32),
          pltpu.VMEM((L, D), jnp.float32),
          pltpu.VMEM((L, D), jnp.float32),
          pltpu.SemaphoreType.DMA,
          pltpu.SemaphoreType.DMA,
          pltpu.SemaphoreType.DMA,
          pltpu.SemaphoreType.DMA,
      ],
  )
  def emb(x_hbm, table_hbm, pos_hbm, out_hbm,
          idx_v, pos_v, g0, g1, o0, o1, gs0, gs1, os0, os1):
    bufs, obufs, gsems, osems = [g0, g1], [o0, o1], [gs0, gs1], [os0, os1]
    wid = lax.axis_index("s") * NC + lax.axis_index("c")
    wbase = wid * BW
    pltpu.sync_copy(x_hbm.at[pl.ds(wbase, BW)], idx_v)
    pltpu.sync_copy(pos_hbm, pos_v)

    def gathers(bi, p):
      return [
          pltpu.make_async_copy(
              table_hbm.at[idx_v.at[bi, pl.ds(off, n)]],
              bufs[p].at[pl.ds(off, n)], gsems[p])
          for off, n in SPANS
      ]

    def writeback(bi, p):
      return pltpu.make_async_copy(obufs[p], out_hbm.at[wbase + bi], osems[p])

    for p in range(2):
      for c in gathers(p, p):
        c.start()

    def step(k, carry):
      for p in range(2):
        bi = 2 * k + p
        for c in gathers(bi, p):
          c.wait()
        @pl.when(k > 0)
        def _():
          writeback(bi - 2, p).wait()
        def add_body(r4, c2):
          r = r4 * 4
          for rr in range(4):
            for j in range(D // 16):
              sl = pl.ds(j * 16, 16)
              obufs[p][r + rr, sl] = bufs[p][r + rr, sl] + pos_v[r + rr, sl]
          return c2
        lax.fori_loop(0, L // 4, add_body, 0)
        writeback(bi, p).start()
        @pl.when(k < BW // 2 - 1)
        def _():
          for c in gathers(bi + 2, p):
            c.start()
      return carry

    lax.fori_loop(0, BW // 2, step, 0)
    for p in range(2):
      writeback(BW - 2 + p, p).wait()

  return emb


def kernel(x, token_table, pos_table):
  B, L = x.shape
  V, D = token_table.shape
  info = plsc.get_sparse_core_info()
  NC, NS = info.num_cores, info.num_subcores
  return _build(B, L, V, D, NC, NS)(
      x.astype(jnp.int32), token_table, pos_table)

# --- scband reference (transcript-rebuilt; emitter-appended) ---
"""Pipeline reference for scband-token-and-position-embedding-67920612819231 (READ-ONLY COPY).

The authoritative reference and input builder live on the scoring server;
editing this copy changes nothing except your own understanding.
"""

import jax, jax.numpy as jnp
import numpy as np

VOCAB = 1000000
MAXLEN = 200
EMBED_DIM = 64
BATCH = 4096

def setup_inputs(seed: int = 0) -> dict:
    key = jax.random.key(seed)
    k1, k2, k3 = jax.random.split(key, 3)
    x = jax.random.randint(k1, (BATCH, MAXLEN), 0, VOCAB)
    token_table = jax.random.normal(k2, (VOCAB, EMBED_DIM), dtype=jnp.float32) * 0.02
    pos_table = jax.random.normal(k3, (MAXLEN, EMBED_DIM), dtype=jnp.float32) * 0.02
    return {"x": x, "token_table": token_table, "pos_table": pos_table}

def reference(x, token_table, pos_table):
    # token embedding lookup (hard ids path of WordEmbedder)
    tok = jnp.take(token_table, x, axis=0)  # [B, L, D]
    # position embedding: positions = range(maxlen) over last axis of ids
    seq_len = x.shape[-1]
    positions = jnp.arange(seq_len)
    pos = jnp.take(pos_table, positions, axis=0)  # [L, D]
    return tok + pos[None, :, :]

if __name__ == "__main__":
    import jax
    _d = setup_inputs()
    print(jax.jit(kernel)(*tuple(_d.values())))

</pallas_src>

<mosaic_0001>
#map = affine_map<(d0, d1) -> (0, 0)>
#map1 = affine_map<(d0, d1) -> (0, 0, 0)>
module attributes {stable_mosaic.version = 14 : i64} {
  func.func @emb(%arg0: i32, %arg1: i32, %arg2: memref<4096x200xi32, #tpu.memory_space<hbm>>, %arg3: memref<1000000x64xf32, #tpu.memory_space<hbm>>, %arg4: memref<200x64xf32, #tpu.memory_space<hbm>>, %arg5: memref<4096x200x64xf32, #tpu.memory_space<hbm>>, %arg6: memref<128x200xi32, #tpu.memory_space<vmem>>, %arg7: memref<200x64xf32, #tpu.memory_space<vmem>>, %arg8: memref<200x64xf32, #tpu.memory_space<vmem>>, %arg9: memref<200x64xf32, #tpu.memory_space<vmem>>, %arg10: memref<200x64xf32, #tpu.memory_space<vmem>>, %arg11: memref<200x64xf32, #tpu.memory_space<vmem>>, %arg12: memref<!tpu.dma_semaphore, #tpu.memory_space<semaphore_mem>>, %arg13: memref<!tpu.dma_semaphore, #tpu.memory_space<semaphore_mem>>, %arg14: memref<!tpu.dma_semaphore, #tpu.memory_space<semaphore_mem>>, %arg15: memref<!tpu.dma_semaphore, #tpu.memory_space<semaphore_mem>>) attributes {dimension_semantics = [#tpu.dimension_semantics<core_parallel>, #tpu.dimension_semantics<subcore_parallel>], iteration_bounds = array<i64: 2, 16>, scalar_prefetch = 0 : i64, scratch_operands = 10 : i64, tpu.core_type = #tpu.core_type<sc_vector_subcore>, window_params = [{transform_indices = #map}, {transform_indices = #map}, {transform_indices = #map}, {transform_indices = #map1}]} {
    %mul3A = arith.constant 2 : i32
    %mul3A_0 = arith.muli %arg1, %mul3A : i32
    %add3A = arith.addi %mul3A_0, %arg0 : i32
    %mul3A_1 = arith.constant 128 : i32
    %mul3A_2 = arith.muli %add3A, %mul3A_1 : i32
    "tpu.region"() ({
      %run_scoped3A = tpu.sem_alloc : memref<!tpu.dma_semaphore, #tpu.memory_space<semaphore_mem>>
      %dma_start3A_66 = arith.constant 0 : i32
      %dma_start3A_67 = tpu.memref_slice %arg2[%mul3A_2, %dma_start3A_66] : memref<4096x200xi32, #tpu.memory_space<hbm>> -> memref<128x200xi32, #tpu.memory_space<hbm>>
      %dma_start3A_68 = arith.constant 0 : i32
      %dma_start3A_69 = tpu.memref_slice %arg2[%mul3A_2, %dma_start3A_68] : memref<4096x200xi32, #tpu.memory_space<hbm>> -> memref<128x200xi32, #tpu.memory_space<hbm>>
      tpu.enqueue_dma source(%dma_start3A_69 : memref<128x200xi32, #tpu.memory_space<hbm>>) target(%arg6 : memref<128x200xi32, #tpu.memory_space<vmem>>) target_semaphore(%run_scoped3A : memref<!tpu.dma_semaphore, #tpu.memory_space<semaphore_mem>>)
      %dma_wait3A_70 = arith.constant 0 : i32
      %dma_wait3A_71 = tpu.memref_slice %arg2[%mul3A_2, %dma_wait3A_70] : memref<4096x200xi32, #tpu.memory_space<hbm>> -> memref<128x200xi32, #tpu.memory_space<hbm>>
      %dma_wait3A_72 = arith.constant 0 : i32
      %dma_wait3A_73 = tpu.memref_slice %arg2[%mul3A_2, %dma_wait3A_72] : memref<4096x200xi32, #tpu.memory_space<hbm>> -> memref<128x200xi32, #tpu.memory_space<hbm>>
      tpu.wait_dma2 semaphore(%run_scoped3A : memref<!tpu.dma_semaphore, #tpu.memory_space<semaphore_mem>>) src(%dma_wait3A_73 : memref<128x200xi32, #tpu.memory_space<hbm>>) dst(%arg6 : memref<128x200xi32, #tpu.memory_space<vmem>>)
      tpu.yield
    }) : () -> ()
    "tpu.region"() ({
      %run_scoped3A = tpu.sem_alloc : memref<!tpu.dma_semaphore, #tpu.memory_space<semaphore_mem>>
      tpu.enqueue_dma source(%arg4 : memref<200x64xf32, #tpu.memory_space<hbm>>) target(%arg7 : memref<200x64xf32, #tpu.memory_space<vmem>>) target_semaphore(%run_scoped3A : memref<!tpu.dma_semaphore, #tpu.memory_space<semaphore_mem>>)
      tpu.wait_dma2 semaphore(%run_scoped3A : memref<!tpu.dma_semaphore, #tpu.memory_space<semaphore_mem>>) src(%arg4 : memref<200x64xf32, #tpu.memory_space<hbm>>) dst(%arg7 : memref<200x64xf32, #tpu.memory_space<vmem>>)
      tpu.yield
    }) : () -> ()
    %dma_start3A = arith.constant 0 : i32
    %dma_start3A_3 = arith.constant 0 : i32
    %dma_start3A_4 = arith.constant 0 : i32
    %dma_start3A_5 = tpu.memref_slice %arg8[%dma_start3A_3, %dma_start3A_4] : memref<200x64xf32, #tpu.memory_space<vmem>> -> memref<96x64xf32, #tpu.memory_space<vmem>>
    %dma_start3A_6 = arith.constant 0 : i32
    %dma_start3A_7 = tpu.memref_slice %arg6[%dma_start3A, %dma_start3A_6] : memref<128x200xi32, #tpu.memory_space<vmem>> -> memref<1x96xi32, #tpu.memory_space<vmem>>
    %dma_start3A_8 = tpu.memref_squeeze %dma_start3A_7 : memref<1x96xi32, #tpu.memory_space<vmem>> -> memref<96xi32, #tpu.memory_space<vmem>>
    %dma_start3A_9 = arith.constant 0 : i32
    %dma_start3A_10 = arith.constant 0 : i32
    %dma_start3A_11 = tpu.memref_slice %arg3[%dma_start3A_9, %dma_start3A_10] : memref<1000000x64xf32, #tpu.memory_space<hbm>> -> memref<1000000x64xf32, #tpu.memory_space<hbm>>
    tpu.enqueue_indirect_dma source(%dma_start3A_11 : memref<1000000x64xf32, #tpu.memory_space<hbm>>) target(%dma_start3A_5 : memref<96x64xf32, #tpu.memory_space<vmem>>) offsets(%dma_start3A_8 : memref<96xi32, #tpu.memory_space<vmem>>) semaphore(%arg12 : memref<!tpu.dma_semaphore, #tpu.memory_space<semaphore_mem>>)
    %dma_start3A_12 = arith.constant 0 : i32
    %dma_start3A_13 = arith.constant 96 : i32
    %dma_start3A_14 = arith.constant 0 : i32
    %dma_start3A_15 = tpu.memref_slice %arg8[%dma_start3A_13, %dma_start3A_14] : memref<200x64xf32, #tpu.memory_space<vmem>> -> memref<104x64xf32, #tpu.memory_space<vmem>>
    %dma_start3A_16 = arith.constant 96 : i32
    %dma_start3A_17 = tpu.memref_slice %arg6[%dma_start3A_12, %dma_start3A_16] : memref<128x200xi32, #tpu.memory_space<vmem>> -> memref<1x104xi32, #tpu.memory_space<vmem>>
    %dma_start3A_18 = tpu.memref_squeeze %dma_start3A_17 : memref<1x104xi32, #tpu.memory_space<vmem>> -> memref<104xi32, #tpu.memory_space<vmem>>
    %dma_start3A_19 = arith.constant 0 : i32
    %dma_start3A_20 = arith.constant 0 : i32
    %dma_start3A_21 = tpu.memref_slice %arg3[%dma_start3A_19, %dma_start3A_20] : memref<1000000x64xf32, #tpu.memory_space<hbm>> -> memref<1000000x64xf32, #tpu.memory_space<hbm>>
    tpu.enqueue_indirect_dma source(%dma_start3A_21 : memref<1000000x64xf32, #tpu.memory_space<hbm>>) target(%dma_start3A_15 : memref<104x64xf32, #tpu.memory_space<vmem>>) offsets(%dma_start3A_18 : memref<104xi32, #tpu.memory_space<vmem>>) semaphore(%arg12 : memref<!tpu.dma_semaphore, #tpu.memory_space<semaphore_mem>>)
    %dma_start3A_22 = arith.constant 1 : i32
    %dma_start3A_23 = arith.constant 0 : i32
    %dma_start3A_24 = arith.constant 0 : i32
    %dma_start3A_25 = tpu.memref_slice %arg9[%dma_start3A_23, %dma_start3A_24] : memref<200x64xf32, #tpu.memory_space<vmem>> -> memref<96x64xf32, #tpu.memory_space<vmem>>
    %dma_start3A_26 = arith.constant 0 : i32
    %dma_start3A_27 = tpu.memref_slice %arg6[%dma_start3A_22, %dma_start3A_26] : memref<128x200xi32, #tpu.memory_space<vmem>> -> memref<1x96xi32, #tpu.memory_space<vmem>>
    %dma_start3A_28 = tpu.memref_squeeze %dma_start3A_27 : memref<1x96xi32, #tpu.memory_space<vmem>> -> memref<96xi32, #tpu.memory_space<vmem>>
    %dma_start3A_29 = arith.constant 0 : i32
    %dma_start3A_30 = arith.constant 0 : i32
    %dma_start3A_31 = tpu.memref_slice %arg3[%dma_start3A_29, %dma_start3A_30] : memref<1000000x64xf32, #tpu.memory_space<hbm>> -> memref<1000000x64xf32, #tpu.memory_space<hbm>>
    tpu.enqueue_indirect_dma source(%dma_start3A_31 : memref<1000000x64xf32, #tpu.memory_space<hbm>>) target(%dma_start3A_25 : memref<96x64xf32, #tpu.memory_space<vmem>>) offsets(%dma_start3A_28 : memref<96xi32, #tpu.memory_space<vmem>>) semaphore(%arg13 : memref<!tpu.dma_semaphore, #tpu.memory_space<semaphore_mem>>)
    %dma_start3A_32 = arith.constant 1 : i32
    %dma_start3A_33 = arith.constant 96 : i32
    %dma_start3A_34 = arith.constant 0 : i32
    %dma_start3A_35 = tpu.memref_slice %arg9[%dma_start3A_33, %dma_start3A_34] : memref<200x64xf32, #tpu.memory_space<vmem>> -> memref<104x64xf32, #tpu.memory_space<vmem>>
    %dma_start3A_36 = arith.constant 96 : i32
    %dma_start3A_37 = tpu.memref_slice %arg6[%dma_start3A_32, %dma_start3A_36] : memref<128x200xi32, #tpu.memory_space<vmem>> -> memref<1x104xi32, #tpu.memory_space<vmem>>
    %dma_start3A_38 = tpu.memref_squeeze %dma_start3A_37 : memref<1x104xi32, #tpu.memory_space<vmem>> -> memref<104xi32, #tpu.memory_space<vmem>>
    %dma_start3A_39 = arith.constant 0 : i32
    %dma_start3A_40 = arith.constant 0 : i32
    %dma_start3A_41 = tpu.memref_slice %arg3[%dma_start3A_39, %dma_start3A_40] : memref<1000000x64xf32, #tpu.memory_space<hbm>> -> memref<1000000x64xf32, #tpu.memory_space<hbm>>
    tpu.enqueue_indirect_dma source(%dma_start3A_41 : memref<1000000x64xf32, #tpu.memory_space<hbm>>) target(%dma_start3A_35 : memref<104x64xf32, #tpu.memory_space<vmem>>) offsets(%dma_start3A_38 : memref<104xi32, #tpu.memory_space<vmem>>) semaphore(%arg13 : memref<!tpu.dma_semaphore, #tpu.memory_space<semaphore_mem>>)
    %scan3A = arith.constant 0 : i32
    %scan3A_42 = arith.constant 0 : i32
    %scan3A_43 = arith.constant 64 : i32
    %scan3A_44 = arith.addi %scan3A_42, %scan3A_43 : i32
    %scan3A_45 = arith.constant 1 : i32
    scf.for %scan3A_66 = %scan3A_42 to %scan3A_44 step %scan3A_45  : i32 {
      %mul3A_67 = arith.constant 2 : i32
      %mul3A_68 = arith.muli %mul3A_67, %scan3A_66 : i32
      %add3A_69 = arith.constant 0 : i32
      %add3A_70 = arith.addi %mul3A_68, %add3A_69 : i32
      %dma_wait3A_71 = arith.constant 0 : i32
      %dma_wait3A_72 = arith.constant 0 : i32
      %dma_wait3A_73 = tpu.memref_slice %arg8[%dma_wait3A_71, %dma_wait3A_72] : memref<200x64xf32, #tpu.memory_space<vmem>> -> memref<96x64xf32, #tpu.memory_space<vmem>>
      %dma_wait3A_74 = arith.constant 0 : i32
      %dma_wait3A_75 = tpu.memref_slice %arg6[%add3A_70, %dma_wait3A_74] : memref<128x200xi32, #tpu.memory_space<vmem>> -> memref<1x96xi32, #tpu.memory_space<vmem>>
      %dma_wait3A_76 = tpu.memref_squeeze %dma_wait3A_75 : memref<1x96xi32, #tpu.memory_space<vmem>> -> memref<96xi32, #tpu.memory_space<vmem>>
      %dma_wait3A_77 = arith.constant 0 : i32
      %dma_wait3A_78 = arith.constant 0 : i32
      %dma_wait3A_79 = tpu.memref_slice %arg3[%dma_wait3A_77, %dma_wait3A_78] : memref<1000000x64xf32, #tpu.memory_space<hbm>> -> memref<1000000x64xf32, #tpu.memory_space<hbm>>
      tpu.wait_indirect_dma semaphore(%arg12 : memref<!tpu.dma_semaphore, #tpu.memory_space<semaphore_mem>>) src(%dma_wait3A_79 : memref<1000000x64xf32, #tpu.memory_space<hbm>>) dst(%dma_wait3A_73 : memref<96x64xf32, #tpu.memory_space<vmem>>)
      %dma_wait3A_80 = arith.constant 96 : i32
      %dma_wait3A_81 = arith.constant 0 : i32
      %dma_wait3A_82 = tpu.memref_slice %arg8[%dma_wait3A_80, %dma_wait3A_81] : memref<200x64xf32, #tpu.memory_space<vmem>> -> memref<104x64xf32, #tpu.memory_space<vmem>>
      %dma_wait3A_83 = arith.constant 96 : i32
      %dma_wait3A_84 = tpu.memref_slice %arg6[%add3A_70, %dma_wait3A_83] : memref<128x200xi32, #tpu.memory_space<vmem>> -> memref<1x104xi32, #tpu.memory_space<vmem>>
      %dma_wait3A_85 = tpu.memref_squeeze %dma_wait3A_84 : memref<1x104xi32, #tpu.memory_space<vmem>> -> memref<104xi32, #tpu.memory_space<vmem>>
      %dma_wait3A_86 = arith.constant 0 : i32
      %dma_wait3A_87 = arith.constant 0 : i32
      %dma_wait3A_88 = tpu.memref_slice %arg3[%dma_wait3A_86, %dma_wait3A_87] : memref<1000000x64xf32, #tpu.memory_space<hbm>> -> memref<1000000x64xf32, #tpu.memory_space<hbm>>
      tpu.wait_indirect_dma semaphore(%arg12 : memref<!tpu.dma_semaphore, #tpu.memory_space<semaphore_mem>>) src(%dma_wait3A_88 : memref<1000000x64xf32, #tpu.memory_space<hbm>>) dst(%dma_wait3A_82 : memref<104x64xf32, #tpu.memory_space<vmem>>)
      %gt3A = arith.constant 0 : i32
      %gt3A_89 = arith.cmpi sgt, %scan3A_66, %gt3A : i32
      %convert_element_type3A = arith.extui %gt3A_89 : i1 to i32
      %cond3A = arith.constant 0 : i32
      %cond3A_90 = arith.cmpi ne, %convert_element_type3A, %cond3A : i32
      scf.if %cond3A_90 {
        %sub3A = arith.constant 2 : i32
        %sub3A_157 = arith.subi %add3A_70, %sub3A : i32
        %add3A_158 = arith.addi %mul3A_2, %sub3A_157 : i32
        %dma_wait3A_159 = arith.constant 0 : i32
        %dma_wait3A_160 = arith.constant 0 : i32
        %dma_wait3A_161 = tpu.memref_slice %arg5[%add3A_158, %dma_wait3A_159, %dma_wait3A_160] : memref<4096x200x64xf32, #tpu.memory_space<hbm>> -> memref<1x200x64xf32, #tpu.memory_space<hbm>>
        %dma_wait3A_162 = tpu.memref_squeeze %dma_wait3A_161 : memref<1x200x64xf32, #tpu.memory_space<hbm>> -> memref<200x64xf32, #tpu.memory_space<hbm>>
        %dma_wait3A_163 = arith.constant 0 : i32
        %dma_wait3A_164 = arith.constant 0 : i32
        %dma_wait3A_165 = tpu.memref_slice %arg5[%add3A_158, %dma_wait3A_163, %dma_wait3A_164] : memref<4096x200x64xf32, #tpu.memory_space<hbm>> -> memref<1x200x64xf32, #tpu.memory_space<hbm>>
        %dma_wait3A_166 = tpu.memref_squeeze %dma_wait3A_165 : memref<1x200x64xf32, #tpu.memory_space<hbm>> -> memref<200x64xf32, #tpu.memory_space<hbm>>
        tpu.wait_dma2 semaphore(%arg14 : memref<!tpu.dma_semaphore, #tpu.memory_space<semaphore_mem>>) src(%arg10 : memref<200x64xf32, #tpu.memory_space<vmem>>) dst(%dma_wait3A_166 : memref<200x64xf32, #tpu.memory_space<hbm>>)
      } else {
      }
      %scan3A_91 = arith.constant 0 : i32
      %scan3A_92 = arith.constant 0 : i32
      %scan3A_93 = arith.constant 50 : i32
      %scan3A_94 = arith.addi %scan3A_92, %scan3A_93 : i32
      %scan3A_95 = arith.constant 1 : i32
      scf.for %scan3A_157 = %scan3A_92 to %scan3A_94 step %scan3A_95  : i32 {
        %mul3A_158 = arith.constant 4 : i32
        %mul3A_159 = arith.muli %scan3A_157, %mul3A_158 : i32
        %add3A_160 = arith.constant 0 : i32
        %add3A_161 = arith.addi %mul3A_159, %add3A_160 : i32
        %get3A = arith.index_cast %add3A_161 : i32 to index
        %get3A_162 = arith.constant 0 : index
        %get3A_163 = tpu.vector_load %arg8[%get3A, %get3A_162] {strides = array<i32>} : memref<200x64xf32, #tpu.memory_space<vmem>>, vector<1x16xf32>,
        %get3A_164 = vector.shape_cast %get3A_163 : vector<1x16xf32> to vector<16xf32>
        %add3A_165 = arith.constant 0 : i32
        %add3A_166 = arith.addi %mul3A_159, %add3A_165 : i32
        %get3A_167 = arith.index_cast %add3A_166 : i32 to index
        %get3A_168 = arith.constant 0 : index
        %get3A_169 = tpu.vector_load %arg7[%get3A_167, %get3A_168] {strides = array<i32>} : memref<200x64xf32, #tpu.memory_space<vmem>>, vector<1x16xf32>,
        %get3A_170 = vector.shape_cast %get3A_169 : vector<1x16xf32> to vector<16xf32>
        %add3A_171 = arith.addf %get3A_164, %get3A_170 : vector<16xf32>
        %add3A_172 = arith.constant 0 : i32
        %add3A_173 = arith.addi %mul3A_159, %add3A_172 : i32
        %swap3A = arith.index_cast %add3A_173 : i32 to index
        %swap3A_174 = arith.constant 0 : index
        %swap3A_175 = tpu.vector_load %arg10[%swap3A, %swap3A_174] {strides = array<i32>} : memref<200x64xf32, #tpu.memory_space<vmem>>, vector<1x16xf32>,
        %swap3A_176 = vector.shape_cast %swap3A_175 : vector<1x16xf32> to vector<16xf32>
        %swap3A_177 = vector.shape_cast %add3A_171 : vector<16xf32> to vector<1x16xf32>
        tpu.vector_store %arg10[%swap3A, %swap3A_174], %swap3A_177 {strides = array<i32>} : memref<200x64xf32, #tpu.memory_space<vmem>>, vector<1x16xf32>,
        %add3A_178 = arith.constant 0 : i32
        %add3A_179 = arith.addi %mul3A_159, %add3A_178 : i32
        %get3A_180 = arith.index_cast %add3A_179 : i32 to index
        %get3A_181 = arith.constant 16 : index
        %get3A_182 = tpu.vector_load %arg8[%get3A_180, %get3A_181] {strides = array<i32>} : memref<200x64xf32, #tpu.memory_space<vmem>>, vector<1x16xf32>,
        %get3A_183 = vector.shape_cast %get3A_182 : vector<1x16xf32> to vector<16xf32>
        %add3A_184 = arith.constant 0 : i32
        %add3A_185 = arith.addi %mul3A_159, %add3A_184 : i32
        %get3A_186 = arith.index_cast %add3A_185 : i32 to index
        %get3A_187 = arith.constant 16 : index
        %get3A_188 = tpu.vector_load %arg7[%get3A_186, %get3A_187] {strides = array<i32>} : memref<200x64xf32, #tpu.memory_space<vmem>>, vector<1x16xf32>,
        %get3A_189 = vector.shape_cast %get3A_188 : vector<1x16xf32> to vector<16xf32>
        %add3A_190 = arith.addf %get3A_183, %get3A_189 : vector<16xf32>
        %add3A_191 = arith.constant 0 : i32
        %add3A_192 = arith.addi %mul3A_159, %add3A_191 : i32
        %swap3A_193 = arith.index_cast %add3A_192 : i32 to index
        %swap3A_194 = arith.constant 16 : index
        %swap3A_195 = tpu.vector_load %arg10[%swap3A_193, %swap3A_194] {strides = array<i32>} : memref<200x64xf32, #tpu.memory_space<vmem>>, vector<1x16xf32>,
        %swap3A_196 = vector.shape_cast %swap3A_195 : vector<1x16xf32> to vector<16xf32>
        %swap3A_197 = vector.shape_cast %add3A_190 : vector<16xf32> to vector<1x16xf32>
        tpu.vector_store %arg10[%swap3A_193, %swap3A_194], %swap3A_197 {strides = array<i32>} : memref<200x64xf32, #tpu.memory_space<vmem>>, vector<1x16xf32>,
        %add3A_198 = arith.constant 0 : i32
        %add3A_199 = arith.addi %mul3A_159, %add3A_198 : i32
        %get3A_200 = arith.index_cast %add3A_199 : i32 to index
        %get3A_201 = arith.constant 32 : index
        %get3A_202 = tpu.vector_load %arg8[%get3A_200, %get3A_201] {strides = array<i32>} : memref<200x64xf32, #tpu.memory_space<vmem>>, vector<1x16xf32>,
        %get3A_203 = vector.shape_cast %get3A_202 : vector<1x16xf32> to vector<16xf32>
        %add3A_204 = arith.constant 0 : i32
        %add3A_205 = arith.addi %mul3A_159, %add3A_204 : i32
        %get3A_206 = arith.index_cast %add3A_205 : i32 to index
        %get3A_207 = arith.constant 32 : index
        %get3A_208 = tpu.vector_load %arg7[%get3A_206, %get3A_207] {strides = array<i32>} : memref<200x64xf32, #tpu.memory_space<vmem>>, vector<1x16xf32>,
        %get3A_209 = vector.shape_cast %get3A_208 : vector<1x16xf32> to vector<16xf32>
        %add3A_210 = arith.addf %get3A_203, %get3A_209 : vector<16xf32>
        %add3A_211 = arith.constant 0 : i32
        %add3A_212 = arith.addi %mul3A_159, %add3A_211 : i32
        %swap3A_213 = arith.index_cast %add3A_212 : i32 to index
        %swap3A_214 = arith.constant 32 : index
        %swap3A_215 = tpu.vector_load %arg10[%swap3A_213, %swap3A_214] {strides = array<i32>} : memref<200x64xf32, #tpu.memory_space<vmem>>, vector<1x16xf32>,
        %swap3A_216 = vector.shape_cast %swap3A_215 : vector<1x16xf32> to vector<16xf32>
        %swap3A_217 = vector.shape_cast %add3A_210 : vector<16xf32> to vector<1x16xf32>
        tpu.vector_store %arg10[%swap3A_213, %swap3A_214], %swap3A_217 {strides = array<i32>} : memref<200x64xf32, #tpu.memory_space<vmem>>, vector<1x16xf32>,
        %add3A_218 = arith.constant 0 : i32
        %add3A_219 = arith.addi %mul3A_159, %add3A_218 : i32
        %get3A_220 = arith.index_cast %add3A_219 : i32 to index
        %get3A_221 = arith.constant 48 : index
        %get3A_222 = tpu.vector_load %arg8[%get3A_220, %get3A_221] {strides = array<i32>} : memref<200x64xf32, #tpu.memory_space<vmem>>, vector<1x16xf32>,
        %get3A_223 = vector.shape_cast %get3A_222 : vector<1x16xf32> to vector<16xf32>
        %add3A_224 = arith.constant 0 : i32
        %add3A_225 = arith.addi %mul3A_159, %add3A_224 : i32
        %get3A_226 = arith.index_cast %add3A_225 : i32 to index
        %get3A_227 = arith.constant 48 : index
        %get3A_228 = tpu.vector_load %arg7[%get3A_226, %get3A_227] {strides = array<i32>} : memref<200x64xf32, #tpu.memory_space<vmem>>, vector<1x16xf32>,
        %get3A_229 = vector.shape_cast %get3A_228 : vector<1x16xf32> to vector<16xf32>
        %add3A_230 = arith.addf %get3A_223, %get3A_229 : vector<16xf32>
        %add3A_231 = arith.constant 0 : i32
        %add3A_232 = arith.addi %mul3A_159, %add3A_231 : i32
        %swap3A_233 = arith.index_cast %add3A_232 : i32 to index
        %swap3A_234 = arith.constant 48 : index
        %swap3A_235 = tpu.vector_load %arg10[%swap3A_233, %swap3A_234] {strides = array<i32>} : memref<200x64xf32, #tpu.memory_space<vmem>>, vector<1x16xf32>,
        %swap3A_236 = vector.shape_cast %swap3A_235 : vector<1x16xf32> to vector<16xf32>
        %swap3A_237 = vector.shape_cast %add3A_230 : vector<16xf32> to vector<1x16xf32>
        tpu.vector_store %arg10[%swap3A_233, %swap3A_234], %swap3A_237 {strides = array<i32>} : memref<200x64xf32, #tpu.memory_space<vmem>>, vector<1x16xf32>,
        %add3A_238 = arith.constant 1 : i32
        %add3A_239 = arith.addi %mul3A_159, %add3A_238 : i32
        %get3A_240 = arith.index_cast %add3A_239 : i32 to index
        %get3A_241 = arith.constant 0 : index
        %get3A_242 = tpu.vector_load %arg8[%get3A_240, %get3A_241] {strides = array<i32>} : memref<200x64xf32, #tpu.memory_space<vmem>>, vector<1x16xf32>,
        %get3A_243 = vector.shape_cast %get3A_242 : vector<1x16xf32> to vector<16xf32>
        %add3A_244 = arith.constant 1 : i32
        %add3A_245 = arith.addi %mul3A_159, %add3A_244 : i32
        %get3A_246 = arith.index_cast %add3A_245 : i32 to index
        %get3A_247 = arith.constant 0 : index
        %get3A_248 = tpu.vector_load %arg7[%get3A_246, %get3A_247] {strides = array<i32>} : memref<200x64xf32, #tpu.memory_space<vmem>>, vector<1x16xf32>,
        %get3A_249 = vector.shape_cast %get3A_248 : vector<1x16xf32> to vector<16xf32>
        %add3A_250 = arith.addf %get3A_243, %get3A_249 : vector<16xf32>
        %add3A_251 = arith.constant 1 : i32
        %add3A_252 = arith.addi %mul3A_159, %add3A_251 : i32
        %swap3A_253 = arith.index_cast %add3A_252 : i32 to index
        %swap3A_254 = arith.constant 0 : index
        %swap3A_255 = tpu.vector_load %arg10[%swap3A_253, %swap3A_254] {strides = array<i32>} : memref<200x64xf32, #tpu.memory_space<vmem>>, vector<1x16xf32>,
        %swap3A_256 = vector.shape_cast %swap3A_255 : vector<1x16xf32> to vector<16xf32>
        %swap3A_257 = vector.shape_cast %add3A_250 : vector<16xf32> to vector<1x16xf32>
        tpu.vector_store %arg10[%swap3A_253, %swap3A_254], %swap3A_257 {strides = array<i32>} : memref<200x64xf32, #tpu.memory_space<vmem>>, vector<1x16xf32>,
        %add3A_258 = arith.constant 1 : i32
        %add3A_259 = arith.addi %mul3A_159, %add3A_258 : i32
        %get3A_260 = arith.index_cast %add3A_259 : i32 to index
        %get3A_261 = arith.constant 16 : index
        %get3A_262 = tpu.vector_load %arg8[%get3A_260, %get3A_261] {strides = array<i32>} : memref<200x64xf32, #tpu.memory_space<vmem>>, vector<1x16xf32>,
        %get3A_263 = vector.shape_cast %get3A_262 : vector<1x16xf32> to vector<16xf32>
        %add3A_264 = arith.constant 1 : i32
        %add3A_265 = arith.addi %mul3A_159, %add3A_264 : i32
        %get3A_266 = arith.index_cast %add3A_265 : i32 to index
        %get3A_267 = arith.constant 16 : index
        %get3A_268 = tpu.vector_load %arg7[%get3A_266, %get3A_267] {strides = array<i32>} : memref<200x64xf32, #tpu.memory_space<vmem>>, vector<1x16xf32>,
        %get3A_269 = vector.shape_cast %get3A_268 : vector<1x16xf32> to vector<16xf32>
        %add3A_270 = arith.addf %get3A_263, %get3A_269 : vector<16xf32>
        %add3A_271 = arith.constant 1 : i32
        %add3A_272 = arith.addi %mul3A_159, %add3A_271 : i32
        %swap3A_273 = arith.index_cast %add3A_272 : i32 to index
        %swap3A_274 = arith.constant 16 : index
        %swap3A_275 = tpu.vector_load %arg10[%swap3A_273, %swap3A_274] {strides = array<i32>} : memref<200x64xf32, #tpu.memory_space<vmem>>, vector<1x16xf32>,
        %swap3A_276 = vector.shape_cast %swap3A_275 : vector<1x16xf32> to vector<16xf32>
        %swap3A_277 = vector.shape_cast %add3A_270 : vector<16xf32> to vector<1x16xf32>
        tpu.vector_store %arg10[%swap3A_273, %swap3A_274], %swap3A_277 {strides = array<i32>} : memref<200x64xf32, #tpu.memory_space<vmem>>, vector<1x16xf32>,
        %add3A_278 = arith.constant 1 : i32
        %add3A_279 = arith.addi %mul3A_159, %add3A_278 : i32
        %get3A_280 = arith.index_cast %add3A_279 : i32 to index
        %get3A_281 = arith.constant 32 : index
        %get3A_282 = tpu.vector_load %arg8[%get3A_280, %get3A_281] {strides = array<i32>} : memref<200x64xf32, #tpu.memory_space<vmem>>, vector<1x16xf32>,
        %get3A_283 = vector.shape_cast %get3A_282 : vector<1x16xf32> to vector<16xf32>
        %add3A_284 = arith.constant 1 : i32
        %add3A_285 = arith.addi %mul3A_159, %add3A_284 : i32
        %get3A_286 = arith.index_cast %add3A_285 : i32 to index
        %get3A_287 = arith.constant 32 : index
        %get3A_288 = tpu.vector_load %arg7[%get3A_286, %get3A_287] {strides = array<i32>} : memref<200x64xf32, #tpu.memory_space<vmem>>, vector<1x16xf32>,
        %get3A_289 = vector.shape_cast %get3A_288 : vector<1x16xf32> to vector<16xf32>
        %add3A_290 = arith.addf %get3A_283, %get3A_289 : vector<16xf32>
        %add3A_291 = arith.constant 1 : i32
        %add3A_292 = arith.addi %mul3A_159, %add3A_291 : i32
        %swap3A_293 = arith.index_cast %add3A_292 : i32 to index
        %swap3A_294 = arith.constant 32 : index
        %swap3A_295 = tpu.vector_load %arg10[%swap3A_293, %swap3A_294] {strides = array<i32>} : memref<200x64xf32, #tpu.memory_space<vmem>>, vector<1x16xf32>,
        %swap3A_296 = vector.shape_cast %swap3A_295 : vector<1x16xf32> to vector<16xf32>
        %swap3A_297 = vector.shape_cast %add3A_290 : vector<16xf32> to vector<1x16xf32>
        tpu.vector_store %arg10[%swap3A_293, %swap3A_294], %swap3A_297 {strides = array<i32>} : memref<200x64xf32, #tpu.memory_space<vmem>>, vector<1x16xf32>,
        %add3A_298 = arith.constant 1 : i32
        %add3A_299 = arith.addi %mul3A_159, %add3A_298 : i32
        %get3A_300 = arith.index_cast %add3A_299 : i32 to index
        %get3A_301 = arith.constant 48 : index
        %get3A_302 = tpu.vector_load %arg8[%get3A_300, %get3A_301] {strides = array<i32>} : memref<200x64xf32, #tpu.memory_space<vmem>>, vector<1x16xf32>,
        %get3A_303 = vector.shape_cast %get3A_302 : vector<1x16xf32> to vector<16xf32>
        %add3A_304 = arith.constant 1 : i32
        %add3A_305 = arith.addi %mul3A_159, %add3A_304 : i32
        %get3A_306 = arith.index_cast %add3A_305 : i32 to index
        %get3A_307 = arith.constant 48 : index
        %get3A_308 = tpu.vector_load %arg7[%get3A_306, %get3A_307] {strides = array<i32>} : memref<200x64xf32, #tpu.memory_space<vmem>>, vector<1x16xf32>,
        %get3A_309 = vector.shape_cast %get3A_308 : vector<1x16xf32> to vector<16xf32>
        %add3A_310 = arith.addf %get3A_303, %get3A_309 : vector<16xf32>
        %add3A_311 = arith.constant 1 : i32
        %add3A_312 = arith.addi %mul3A_159, %add3A_311 : i32
        %swap3A_313 = arith.index_cast %add3A_312 : i32 to index
        %swap3A_314 = arith.constant 48 : index
        %swap3A_315 = tpu.vector_load %arg10[%swap3A_313, %swap3A_314] {strides = array<i32>} : memref<200x64xf32, #tpu.memory_space<vmem>>, vector<1x16xf32>,
        %swap3A_316 = vector.shape_cast %swap3A_315 : vector<1x16xf32> to vector<16xf32>
        %swap3A_317 = vector.shape_cast %add3A_310 : vector<16xf32> to vector<1x16xf32>
        tpu.vector_store %arg10[%swap3A_313, %swap3A_314], %swap3A_317 {strides = array<i32>} : memref<200x64xf32, #tpu.memory_space<vmem>>, vector<1x16xf32>,
        %add3A_318 = arith.constant 2 : i32
        %add3A_319 = arith.addi %mul3A_159, %add3A_318 : i32
        %get3A_320 = arith.index_cast %add3A_319 : i32 to index
        %get3A_321 = arith.constant 0 : index
        %get3A_322 = tpu.vector_load %arg8[%get3A_320, %get3A_321] {strides = array<i32>} : memref<200x64xf32, #tpu.memory_space<vmem>>, vector<1x16xf32>,
        %get3A_323 = vector.shape_cast %get3A_322 : vector<1x16xf32> to vector<16xf32>
        %add3A_324 = arith.constant 2 : i32
        %add3A_325 = arith.addi %mul3A_159, %add3A_324 : i32
        %get3A_326 = arith.index_cast %add3A_325 : i32 to index
        %get3A_327 = arith.constant 0 : index
        %get3A_328 = tpu.vector_load %arg7[%get3A_326, %get3A_327] {strides = array<i32>} : memref<200x64xf32, #tpu.memory_space<vmem>>, vector<1x16xf32>,
        %get3A_329 = vector.shape_cast %get3A_328 : vector<1x16xf32> to vector<16xf32>
        %add3A_330 = arith.addf %get3A_323, %get3A_329 : vector<16xf32>
        %add3A_331 = arith.constant 2 : i32
        %add3A_332 = arith.addi %mul3A_159, %add3A_331 : i32
        %swap3A_333 = arith.index_cast %add3A_332 : i32 to index
        %swap3A_334 = arith.constant 0 : index
        %swap3A_335 = tpu.vector_load %arg10[%swap3A_333, %swap3A_334] {strides = array<i32>} : memref<200x64xf32, #tpu.memory_space<vmem>>, vector<1x16xf32>,
        %swap3A_336 = vector.shape_cast %swap3A_335 : vector<1x16xf32> to vector<16xf32>
        %swap3A_337 = vector.shape_cast %add3A_330 : vector<16xf32> to vector<1x16xf32>
        tpu.vector_store %arg10[%swap3A_333, %swap3A_334], %swap3A_337 {strides = array<i32>} : memref<200x64xf32, #tpu.memory_space<vmem>>, vector<1x16xf32>,
        %add3A_338 = arith.constant 2 : i32
        %add3A_339 = arith.addi %mul3A_159, %add3A_338 : i32
        %get3A_340 = arith.index_cast %add3A_339 : i32 to index
        %get3A_341 = arith.constant 16 : index
        %get3A_342 = tpu.vector_load %arg8[%get3A_340, %get3A_341] {strides = array<i32>} : memref<200x64xf32, #tpu.memory_space<vmem>>, vector<1x16xf32>,
        %get3A_343 = vector.shape_cast %get3A_342 : vector<1x16xf32> to vector<16xf32>
        %add3A_344 = arith.constant 2 : i32
        %add3A_345 = arith.addi %mul3A_159, %add3A_344 : i32
        %get3A_346 = arith.index_cast %add3A_345 : i32 to index
        %get3A_347 = arith.constant 16 : index
        %get3A_348 = tpu.vector_load %arg7[%get3A_346, %get3A_347] {strides = array<i32>} : memref<200x64xf32, #tpu.memory_space<vmem>>, vector<1x16xf32>,
        %get3A_349 = vector.shape_cast %get3A_348 : vector<1x16xf32> to vector<16xf32>
        %add3A_350 = arith.addf %get3A_343, %get3A_349 : vector<16xf32>
        %add3A_351 = arith.constant 2 : i32
        %add3A_352 = arith.addi %mul3A_159, %add3A_351 : i32
        %swap3A_353 = arith.index_cast %add3A_352 : i32 to index
        %swap3A_354 = arith.constant 16 : index
        %swap3A_355 = tpu.vector_load %arg10[%swap3A_353, %swap3A_354] {strides = array<i32>} : memref<200x64xf32, #tpu.memory_space<vmem>>, vector<1x16xf32>,
        %swap3A_356 = vector.shape_cast %swap3A_355 : vector<1x16xf32> to vector<16xf32>
        %swap3A_357 = vector.shape_cast %add3A_350 : vector<16xf32> to vector<1x16xf32>
        tpu.vector_store %arg10[%swap3A_353, %swap3A_354], %swap3A_357 {strides = array<i32>} : memref<200x64xf32, #tpu.memory_space<vmem>>, vector<1x16xf32>,
        %add3A_358 = arith.constant 2 : i32
        %add3A_359 = arith.addi %mul3A_159, %add3A_358 : i32
        %get3A_360 = arith.index_cast %add3A_359 : i32 to index
        %get3A_361 = arith.constant 32 : index
        %get3A_362 = tpu.vector_load %arg8[%get3A_360, %get3A_361] {strides = array<i32>} : memref<200x64xf32, #tpu.memory_space<vmem>>, vector<1x16xf32>,
        %get3A_363 = vector.shape_cast %get3A_362 : vector<1x16xf32> to vector<16xf32>
        %add3A_364 = arith.constant 2 : i32
        %add3A_365 = arith.addi %mul3A_159, %add3A_364 : i32
        %get3A_366 = arith.index_cast %add3A_365 : i32 to index
        %get3A_367 = arith.constant 32 : index
        %get3A_368 = tpu.vector_load %arg7[%get3A_366, %get3A_367] {strides = array<i32>} : memref<200x64xf32, #tpu.memory_space<vmem>>, vector<1x16xf32>,
        %get3A_369 = vector.shape_cast %get3A_368 : vector<1x16xf32> to vector<16xf32>
        %add3A_370 = arith.addf %get3A_363, %get3A_369 : vector<16xf32>
        %add3A_371 = arith.constant 2 : i32
        %add3A_372 = arith.addi %mul3A_159, %add3A_371 : i32
        %swap3A_373 = arith.index_cast %add3A_372 : i32 to index
        %swap3A_374 = arith.constant 32 : index
        %swap3A_375 = tpu.vector_load %arg10[%swap3A_373, %swap3A_374] {strides = array<i32>} : memref<200x64xf32, #tpu.memory_space<vmem>>, vector<1x16xf32>,
        %swap3A_376 = vector.shape_cast %swap3A_375 : vector<1x16xf32> to vector<16xf32>
        %swap3A_377 = vector.shape_cast %add3A_370 : vector<16xf32> to vector<1x16xf32>
        tpu.vector_store %arg10[%swap3A_373, %swap3A_374], %swap3A_377 {strides = array<i32>} : memref<200x64xf32, #tpu.memory_space<vmem>>, vector<1x16xf32>,
        %add3A_378 = arith.constant 2 : i32
        %add3A_379 = arith.addi %mul3A_159, %add3A_378 : i32
        %get3A_380 = arith.index_cast %add3A_379 : i32 to index
        %get3A_381 = arith.constant 48 : index
        %get3A_382 = tpu.vector_load %arg8[%get3A_380, %get3A_381] {strides = array<i32>} : memref<200x64xf32, #tpu.memory_space<vmem>>, vector<1x16xf32>,
        %get3A_383 = vector.shape_cast %get3A_382 : vector<1x16xf32> to vector<16xf32>
        %add3A_384 = arith.constant 2 : i32
        %add3A_385 = arith.addi %mul3A_159, %add3A_384 : i32
        %get3A_386 = arith.index_cast %add3A_385 : i32 to index
        %get3A_387 = arith.constant 48 : index
        %get3A_388 = tpu.vector_load %arg7[%get3A_386, %get3A_387] {strides = array<i32>} : memref<200x64xf32, #tpu.memory_space<vmem>>, vector<1x16xf32>,
        %get3A_389 = vector.shape_cast %get3A_388 : vector<1x16xf32> to vector<16xf32>
        %add3A_390 = arith.addf %get3A_383, %get3A_389 : vector<16xf32>
        %add3A_391 = arith.constant 2 : i32
        %add3A_392 = arith.addi %mul3A_159, %add3A_391 : i32
        %swap3A_393 = arith.index_cast %add3A_392 : i32 to index
        %swap3A_394 = arith.constant 48 : index
        %swap3A_395 = tpu.vector_load %arg10[%swap3A_393, %swap3A_394] {strides = array<i32>} : memref<200x64xf32, #tpu.memory_space<vmem>>, vector<1x16xf32>,
        %swap3A_396 = vector.shape_cast %swap3A_395 : vector<1x16xf32> to vector<16xf32>
        %swap3A_397 = vector.shape_cast %add3A_390 : vector<16xf32> to vector<1x16xf32>
        tpu.vector_store %arg10[%swap3A_393, %swap3A_394], %swap3A_397 {strides = array<i32>} : memref<200x64xf32, #tpu.memory_space<vmem>>, vector<1x16xf32>,
        %add3A_398 = arith.constant 3 : i32
        %add3A_399 = arith.addi %mul3A_159, %add3A_398 : i32
        %get3A_400 = arith.index_cast %add3A_399 : i32 to index
        %get3A_401 = arith.constant 0 : index
        %get3A_402 = tpu.vector_load %arg8[%get3A_400, %get3A_401] {strides = array<i32>} : memref<200x64xf32, #tpu.memory_space<vmem>>, vector<1x16xf32>,
        %get3A_403 = vector.shape_cast %get3A_402 : vector<1x16xf32> to vector<16xf32>
        %add3A_404 = arith.constant 3 : i32
        %add3A_405 = arith.addi %mul3A_159, %add3A_404 : i32
        %get3A_406 = arith.index_cast %add3A_405 : i32 to index
        %get3A_407 = arith.constant 0 : index
        %get3A_408 = tpu.vector_load %arg7[%get3A_406, %get3A_407] {strides = array<i32>} : memref<200x64xf32, #tpu.memory_space<vmem>>, vector<1x16xf32>,
        %get3A_409 = vector.shape_cast %get3A_408 : vector<1x16xf32> to vector<16xf32>
        %add3A_410 = arith.addf %get3A_403, %get3A_409 : vector<16xf32>
        %add3A_411 = arith.constant 3 : i32
        %add3A_412 = arith.addi %mul3A_159, %add3A_411 : i32
        %swap3A_413 = arith.index_cast %add3A_412 : i32 to index
        %swap3A_414 = arith.constant 0 : index
        %swap3A_415 = tpu.vector_load %arg10[%swap3A_413, %swap3A_414] {strides = array<i32>} : memref<200x64xf32, #tpu.memory_space<vmem>>, vector<1x16xf32>,
        %swap3A_416 = vector.shape_cast %swap3A_415 : vector<1x16xf32> to vector<16xf32>
        %swap3A_417 = vector.shape_cast %add3A_410 : vector<16xf32> to vector<1x16xf32>
        tpu.vector_store %arg10[%swap3A_413, %swap3A_414], %swap3A_417 {strides = array<i32>} : memref<200x64xf32, #tpu.memory_space<vmem>>, vector<1x16xf32>,
        %add3A_418 = arith.constant 3 : i32
        %add3A_419 = arith.addi %mul3A_159, %add3A_418 : i32
        %get3A_420 = arith.index_cast %add3A_419 : i32 to index
        %get3A_421 = arith.constant 16 : index
        %get3A_422 = tpu.vector_load %arg8[%get3A_420, %get3A_421] {strides = array<i32>} : memref<200x64xf32, #tpu.memory_space<vmem>>, vector<1x16xf32>,
        %get3A_423 = vector.shape_cast %get3A_422 : vector<1x16xf32> to vector<16xf32>
        %add3A_424 = arith.constant 3 : i32
        %add3A_425 = arith.addi %mul3A_159, %add3A_424 : i32
        %get3A_426 = arith.index_cast %add3A_425 : i32 to index
        %get3A_427 = arith.constant 16 : index
        %get3A_428 = tpu.vector_load %arg7[%get3A_426, %get3A_427] {strides = array<i32>} : memref<200x64xf32, #tpu.memory_space<vmem>>, vector<1x16xf32>,
        %get3A_429 = vector.shape_cast %get3A_428 : vector<1x16xf32> to vector<16xf32>
        %add3A_430 = arith.addf %get3A_423, %get3A_429 : vector<16xf32>
        %add3A_431 = arith.constant 3 : i32
        %add3A_432 = arith.addi %mul3A_159, %add3A_431 : i32
        %swap3A_433 = arith.index_cast %add3A_432 : i32 to index
        %swap3A_434 = arith.constant 16 : index
        %swap3A_435 = tpu.vector_load %arg10[%swap3A_433, %swap3A_434] {strides = array<i32>} : memref<200x64xf32, #tpu.memory_space<vmem>>, vector<1x16xf32>,
        %swap3A_436 = vector.shape_cast %swap3A_435 : vector<1x16xf32> to vector<16xf32>
        %swap3A_437 = vector.shape_cast %add3A_430 : vector<16xf32> to vector<1x16xf32>
        tpu.vector_store %arg10[%swap3A_433, %swap3A_434], %swap3A_437 {strides = array<i32>} : memref<200x64xf32, #tpu.memory_space<vmem>>, vector<1x16xf32>,
        %add3A_438 = arith.constant 3 : i32
        %add3A_439 = arith.addi %mul3A_159, %add3A_438 : i32
        %get3A_440 = arith.index_cast %add3A_439 : i32 to index
        %get3A_441 = arith.constant 32 : index
        %get3A_442 = tpu.vector_load %arg8[%get3A_440, %get3A_441] {strides = array<i32>} : memref<200x64xf32, #tpu.memory_space<vmem>>, vector<1x16xf32>,
        %get3A_443 = vector.shape_cast %get3A_442 : vector<1x16xf32> to vector<16xf32>
        %add3A_444 = arith.constant 3 : i32
        %add3A_445 = arith.addi %mul3A_159, %add3A_444 : i32
        %get3A_446 = arith.index_cast %add3A_445 : i32 to index
        %get3A_447 = arith.constant 32 : index
        %get3A_448 = tpu.vector_load %arg7[%get3A_446, %get3A_447] {strides = array<i32>} : memref<200x64xf32, #tpu.memory_space<vmem>>, vector<1x16xf32>,
        %get3A_449 = vector.shape_cast %get3A_448 : vector<1x16xf32> to vector<16xf32>
        %add3A_450 = arith.addf %get3A_443, %get3A_449 : vector<16xf32>
        %add3A_451 = arith.constant 3 : i32
        %add3A_452 = arith.addi %mul3A_159, %add3A_451 : i32
        %swap3A_453 = arith.index_cast %add3A_452 : i32 to index
        %swap3A_454 = arith.constant 32 : index
        %swap3A_455 = tpu.vector_load %arg10[%swap3A_453, %swap3A_454] {strides = array<i32>} : memref<200x64xf32, #tpu.memory_space<vmem>>, vector<1x16xf32>,
        %swap3A_456 = vector.shape_cast %swap3A_455 : vector<1x16xf32> to vector<16xf32>
        %swap3A_457 = vector.shape_cast %add3A_450 : vector<16xf32> to vector<1x16xf32>
        tpu.vector_store %arg10[%swap3A_453, %swap3A_454], %swap3A_457 {strides = array<i32>} : memref<200x64xf32, #tpu.memory_space<vmem>>, vector<1x16xf32>,
        %add3A_458 = arith.constant 3 : i32
        %add3A_459 = arith.addi %mul3A_159, %add3A_458 : i32
        %get3A_460 = arith.index_cast %add3A_459 : i32 to index
        %get3A_461 = arith.constant 48 : index
        %get3A_462 = tpu.vector_load %arg8[%get3A_460, %get3A_461] {strides = array<i32>} : memref<200x64xf32, #tpu.memory_space<vmem>>, vector<1x16xf32>,
        %get3A_463 = vector.shape_cast %get3A_462 : vector<1x16xf32> to vector<16xf32>
        %add3A_464 = arith.constant 3 : i32
        %add3A_465 = arith.addi %mul3A_159, %add3A_464 : i32
        %get3A_466 = arith.index_cast %add3A_465 : i32 to index
        %get3A_467 = arith.constant 48 : index
        %get3A_468 = tpu.vector_load %arg7[%get3A_466, %get3A_467] {strides = array<i32>} : memref<200x64xf32, #tpu.memory_space<vmem>>, vector<1x16xf32>,
        %get3A_469 = vector.shape_cast %get3A_468 : vector<1x16xf32> to vector<16xf32>
        %add3A_470 = arith.addf %get3A_463, %get3A_469 : vector<16xf32>
        %add3A_471 = arith.constant 3 : i32
        %add3A_472 = arith.addi %mul3A_159, %add3A_471 : i32
        %swap3A_473 = arith.index_cast %add3A_472 : i32 to index
        %swap3A_474 = arith.constant 48 : index
        %swap3A_475 = tpu.vector_load %arg10[%swap3A_473, %swap3A_474] {strides = array<i32>} : memref<200x64xf32, #tpu.memory_space<vmem>>, vector<1x16xf32>,
        %swap3A_476 = vector.shape_cast %swap3A_475 : vector<1x16xf32> to vector<16xf32>
        %swap3A_477 = vector.shape_cast %add3A_470 : vector<16xf32> to vector<1x16xf32>
        tpu.vector_store %arg10[%swap3A_473, %swap3A_474], %swap3A_477 {strides = array<i32>} : memref<200x64xf32, #tpu.memory_space<vmem>>, vector<1x16xf32>,
      }
      %scan3A_96 = arith.constant 50 : i32
      %add3A_97 = arith.addi %mul3A_2, %add3A_70 : i32
      %dma_start3A_98 = arith.constant 0 : i32
      %dma_start3A_99 = arith.constant 0 : i32
      %dma_start3A_100 = tpu.memref_slice %arg5[%add3A_97, %dma_start3A_98, %dma_start3A_99] : memref<4096x200x64xf32, #tpu.memory_space<hbm>> -> memref<1x200x64xf32, #tpu.memory_space<hbm>>
      %dma_start3A_101 = tpu.memref_squeeze %dma_start3A_100 : memref<1x200x64xf32, #tpu.memory_space<hbm>> -> memref<200x64xf32, #tpu.memory_space<hbm>>
      %dma_start3A_102 = arith.constant 0 : i32
      %dma_start3A_103 = arith.constant 0 : i32
      %dma_start3A_104 = tpu.memref_slice %arg5[%add3A_97, %dma_start3A_102, %dma_start3A_103] : memref<4096x200x64xf32, #tpu.memory_space<hbm>> -> memref<1x200x64xf32, #tpu.memory_space<hbm>>
      %dma_start3A_105 = tpu.memref_squeeze %dma_start3A_104 : memref<1x200x64xf32, #tpu.memory_space<hbm>> -> memref<200x64xf32, #tpu.memory_space<hbm>>
      tpu.enqueue_dma source(%arg10 : memref<200x64xf32, #tpu.memory_space<vmem>>) target(%dma_start3A_105 : memref<200x64xf32, #tpu.memory_space<hbm>>) target_semaphore(%arg14 : memref<!tpu.dma_semaphore, #tpu.memory_space<semaphore_mem>>)
      %lt3A = arith.constant 63 : i32
      %lt3A_106 = arith.cmpi slt, %scan3A_66, %lt3A : i32
      %convert_element_type3A_107 = arith.extui %lt3A_106 : i1 to i32
      %cond3A_108 = arith.constant 0 : i32
      %cond3A_109 = arith.cmpi ne, %convert_element_type3A_107, %cond3A_108 : i32
      scf.if %cond3A_109 {
        %add3A_157 = arith.constant 2 : i32
        %add3A_158 = arith.addi %add3A_70, %add3A_157 : i32
        %dma_start3A_159 = arith.constant 0 : i32
        %dma_start3A_160 = arith.constant 0 : i32
        %dma_start3A_161 = tpu.memref_slice %arg8[%dma_start3A_159, %dma_start3A_160] : memref<200x64xf32, #tpu.memory_space<vmem>> -> memref<96x64xf32, #tpu.memory_space<vmem>>
        %dma_start3A_162 = arith.constant 0 : i32
        %dma_start3A_163 = tpu.memref_slice %arg6[%add3A_158, %dma_start3A_162] : memref<128x200xi32, #tpu.memory_space<vmem>> -> memref<1x96xi32, #tpu.memory_space<vmem>>
        %dma_start3A_164 = tpu.memref_squeeze %dma_start3A_163 : memref<1x96xi32, #tpu.memory_space<vmem>> -> memref<96xi32, #tpu.memory_space<vmem>>
        %dma_start3A_165 = arith.constant 0 : i32
        %dma_start3A_166 = arith.constant 0 : i32
        %dma_start3A_167 = tpu.memref_slice %arg3[%dma_start3A_165, %dma_start3A_166] : memref<1000000x64xf32, #tpu.memory_space<hbm>> -> memref<1000000x64xf32, #tpu.memory_space<hbm>>
        tpu.enqueue_indirect_dma source(%dma_start3A_167 : memref<1000000x64xf32, #tpu.memory_space<hbm>>) target(%dma_start3A_161 : memref<96x64xf32, #tpu.memory_space<vmem>>) offsets(%dma_start3A_164 : memref<96xi32, #tpu.memory_space<vmem>>) semaphore(%arg12 : memref<!tpu.dma_semaphore, #tpu.memory_space<semaphore_mem>>)
        %dma_start3A_168 = arith.constant 96 : i32
        %dma_start3A_169 = arith.constant 0 : i32
        %dma_start3A_170 = tpu.memref_slice %arg8[%dma_start3A_168, %dma_start3A_169] : memref<200x64xf32, #tpu.memory_space<vmem>> -> memref<104x64xf32, #tpu.memory_space<vmem>>
        %dma_start3A_171 = arith.constant 96 : i32
        %dma_start3A_172 = tpu.memref_slice %arg6[%add3A_158, %dma_start3A_171] : memref<128x200xi32, #tpu.memory_space<vmem>> -> memref<1x104xi32, #tpu.memory_space<vmem>>
        %dma_start3A_173 = tpu.memref_squeeze %dma_start3A_172 : memref<1x104xi32, #tpu.memory_space<vmem>> -> memref<104xi32, #tpu.memory_space<vmem>>
        %dma_start3A_174 = arith.constant 0 : i32
        %dma_start3A_175 = arith.constant 0 : i32
        %dma_start3A_176 = tpu.memref_slice %arg3[%dma_start3A_174, %dma_start3A_175] : memref<1000000x64xf32, #tpu.memory_space<hbm>> -> memref<1000000x64xf32, #tpu.memory_space<hbm>>
        tpu.enqueue_indirect_dma source(%dma_start3A_176 : memref<1000000x64xf32, #tpu.memory_space<hbm>>) target(%dma_start3A_170 : memref<104x64xf32, #tpu.memory_space<vmem>>) offsets(%dma_start3A_173 : memref<104xi32, #tpu.memory_space<vmem>>) semaphore(%arg12 : memref<!tpu.dma_semaphore, #tpu.memory_space<semaphore_mem>>)
      } else {
      }
      %mul3A_110 = arith.constant 2 : i32
      %mul3A_111 = arith.muli %mul3A_110, %scan3A_66 : i32
      %add3A_112 = arith.constant 1 : i32
      %add3A_113 = arith.addi %mul3A_111, %add3A_112 : i32
      %dma_wait3A_114 = arith.constant 0 : i32
      %dma_wait3A_115 = arith.constant 0 : i32
      %dma_wait3A_116 = tpu.memref_slice %arg9[%dma_wait3A_114, %dma_wait3A_115] : memref<200x64xf32, #tpu.memory_space<vmem>> -> memref<96x64xf32, #tpu.memory_space<vmem>>
      %dma_wait3A_117 = arith.constant 0 : i32
      %dma_wait3A_118 = tpu.memref_slice %arg6[%add3A_113, %dma_wait3A_117] : memref<128x200xi32, #tpu.memory_space<vmem>> -> memref<1x96xi32, #tpu.memory_space<vmem>>
      %dma_wait3A_119 = tpu.memref_squeeze %dma_wait3A_118 : memref<1x96xi32, #tpu.memory_space<vmem>> -> memref<96xi32, #tpu.memory_space<vmem>>
      %dma_wait3A_120 = arith.constant 0 : i32
      %dma_wait3A_121 = arith.constant 0 : i32
      %dma_wait3A_122 = tpu.memref_slice %arg3[%dma_wait3A_120, %dma_wait3A_121] : memref<1000000x64xf32, #tpu.memory_space<hbm>> -> memref<1000000x64xf32, #tpu.memory_space<hbm>>
      tpu.wait_indirect_dma semaphore(%arg13 : memref<!tpu.dma_semaphore, #tpu.memory_space<semaphore_mem>>) src(%dma_wait3A_122 : memref<1000000x64xf32, #tpu.memory_space<hbm>>) dst(%dma_wait3A_116 : memref<96x64xf32, #tpu.memory_space<vmem>>)
      %dma_wait3A_123 = arith.constant 96 : i32
      %dma_wait3A_124 = arith.constant 0 : i32
      %dma_wait3A_125 = tpu.memref_slice %arg9[%dma_wait3A_123, %dma_wait3A_124] : memref<200x64xf32, #tpu.memory_space<vmem>> -> memref<104x64xf32, #tpu.memory_space<vmem>>
      %dma_wait3A_126 = arith.constant 96 : i32
      %dma_wait3A_127 = tpu.memref_slice %arg6[%add3A_113, %dma_wait3A_126] : memref<128x200xi32, #tpu.memory_space<vmem>> -> memref<1x104xi32, #tpu.memory_space<vmem>>
      %dma_wait3A_128 = tpu.memref_squeeze %dma_wait3A_127 : memref<1x104xi32, #tpu.memory_space<vmem>> -> memref<104xi32, #tpu.memory_space<vmem>>
      %dma_wait3A_129 = arith.constant 0 : i32
      %dma_wait3A_130 = arith.constant 0 : i32
      %dma_wait3A_131 = tpu.memref_slice %arg3[%dma_wait3A_129, %dma_wait3A_130] : memref<1000000x64xf32, #tpu.memory_space<hbm>> -> memref<1000000x64xf32, #tpu.memory_space<hbm>>
      tpu.wait_indirect_dma semaphore(%arg13 : memref<!tpu.dma_semaphore, #tpu.memory_space<semaphore_mem>>) src(%dma_wait3A_131 : memref<1000000x64xf32, #tpu.memory_space<hbm>>) dst(%dma_wait3A_125 : memref<104x64xf32, #tpu.memory_space<vmem>>)
      %gt3A_132 = arith.constant 0 : i32
      %gt3A_133 = arith.cmpi sgt, %scan3A_66, %gt3A_132 : i32
      %convert_element_type3A_134 = arith.extui %gt3A_133 : i1 to i32
      %cond3A_135 = arith.constant 0 : i32
      %cond3A_136 = arith.cmpi ne, %convert_element_type3A_134, %cond3A_135 : i32
      scf.if %cond3A_136 {
        %sub3A = arith.constant 2 : i32
        %sub3A_157 = arith.subi %add3A_113, %sub3A : i32
        %add3A_158 = arith.addi %mul3A_2, %sub3A_157 : i32
        %dma_wait3A_159 = arith.constant 0 : i32
        %dma_wait3A_160 = arith.constant 0 : i32
        %dma_wait3A_161 = tpu.memref_slice %arg5[%add3A_158, %dma_wait3A_159, %dma_wait3A_160] : memref<4096x200x64xf32, #tpu.memory_space<hbm>> -> memref<1x200x64xf32, #tpu.memory_space<hbm>>
        %dma_wait3A_162 = tpu.memref_squeeze %dma_wait3A_161 : memref<1x200x64xf32, #tpu.memory_space<hbm>> -> memref<200x64xf32, #tpu.memory_space<hbm>>
        %dma_wait3A_163 = arith.constant 0 : i32
        %dma_wait3A_164 = arith.constant 0 : i32
        %dma_wait3A_165 = tpu.memref_slice %arg5[%add3A_158, %dma_wait3A_163, %dma_wait3A_164] : memref<4096x200x64xf32, #tpu.memory_space<hbm>> -> memref<1x200x64xf32, #tpu.memory_space<hbm>>
        %dma_wait3A_166 = tpu.memref_squeeze %dma_wait3A_165 : memref<1x200x64xf32, #tpu.memory_space<hbm>> -> memref<200x64xf32, #tpu.memory_space<hbm>>
        tpu.wait_dma2 semaphore(%arg15 : memref<!tpu.dma_semaphore, #tpu.memory_space<semaphore_mem>>) src(%arg11 : memref<200x64xf32, #tpu.memory_space<vmem>>) dst(%dma_wait3A_166 : memref<200x64xf32, #tpu.memory_space<hbm>>)
      } else {
      }
      %scan3A_137 = arith.constant 0 : i32
      %scan3A_138 = arith.constant 0 : i32
      %scan3A_139 = arith.constant 50 : i32
      %scan3A_140 = arith.addi %scan3A_138, %scan3A_139 : i32
      %scan3A_141 = arith.constant 1 : i32
      scf.for %scan3A_157 = %scan3A_138 to %scan3A_140 step %scan3A_141  : i32 {
        %mul3A_158 = arith.constant 4 : i32
        %mul3A_159 = arith.muli %scan3A_157, %mul3A_158 : i32
        %add3A_160 = arith.constant 0 : i32
        %add3A_161 = arith.addi %mul3A_159, %add3A_160 : i32
        %get3A = arith.index_cast %add3A_161 : i32 to index
        %get3A_162 = arith.constant 0 : index
        %get3A_163 = tpu.vector_load %arg9[%get3A, %get3A_162] {strides = array<i32>} : memref<200x64xf32, #tpu.memory_space<vmem>>, vector<1x16xf32>,
        %get3A_164 = vector.shape_cast %get3A_163 : vector<1x16xf32> to vector<16xf32>
        %add3A_165 = arith.constant 0 : i32
        %add3A_166 = arith.addi %mul3A_159, %add3A_165 : i32
        %get3A_167 = arith.index_cast %add3A_166 : i32 to index
        %get3A_168 = arith.constant 0 : index
        %get3A_169 = tpu.vector_load %arg7[%get3A_167, %get3A_168] {strides = array<i32>} : memref<200x64xf32, #tpu.memory_space<vmem>>, vector<1x16xf32>,
        %get3A_170 = vector.shape_cast %get3A_169 : vector<1x16xf32> to vector<16xf32>
        %add3A_171 = arith.addf %get3A_164, %get3A_170 : vector<16xf32>
        %add3A_172 = arith.constant 0 : i32
        %add3A_173 = arith.addi %mul3A_159, %add3A_172 : i32
        %swap3A = arith.index_cast %add3A_173 : i32 to index
        %swap3A_174 = arith.constant 0 : index
        %swap3A_175 = tpu.vector_load %arg11[%swap3A, %swap3A_174] {strides = array<i32>} : memref<200x64xf32, #tpu.memory_space<vmem>>, vector<1x16xf32>,
        %swap3A_176 = vector.shape_cast %swap3A_175 : vector<1x16xf32> to vector<16xf32>
        %swap3A_177 = vector.shape_cast %add3A_171 : vector<16xf32> to vector<1x16xf32>
        tpu.vector_store %arg11[%swap3A, %swap3A_174], %swap3A_177 {strides = array<i32>} : memref<200x64xf32, #tpu.memory_space<vmem>>, vector<1x16xf32>,
        %add3A_178 = arith.constant 0 : i32
        %add3A_179 = arith.addi %mul3A_159, %add3A_178 : i32
        %get3A_180 = arith.index_cast %add3A_179 : i32 to index
        %get3A_181 = arith.constant 16 : index
        %get3A_182 = tpu.vector_load %arg9[%get3A_180, %get3A_181] {strides = array<i32>} : memref<200x64xf32, #tpu.memory_space<vmem>>, vector<1x16xf32>,
        %get3A_183 = vector.shape_cast %get3A_182 : vector<1x16xf32> to vector<16xf32>
        %add3A_184 = arith.constant 0 : i32
        %add3A_185 = arith.addi %mul3A_159, %add3A_184 : i32
        %get3A_186 = arith.index_cast %add3A_185 : i32 to index
        %get3A_187 = arith.constant 16 : index
        %get3A_188 = tpu.vector_load %arg7[%get3A_186, %get3A_187] {strides = array<i32>} : memref<200x64xf32, #tpu.memory_space<vmem>>, vector<1x16xf32>,
        %get3A_189 = vector.shape_cast %get3A_188 : vector<1x16xf32> to vector<16xf32>
        %add3A_190 = arith.addf %get3A_183, %get3A_189 : vector<16xf32>
        %add3A_191 = arith.constant 0 : i32
        %add3A_192 = arith.addi %mul3A_159, %add3A_191 : i32
        %swap3A_193 = arith.index_cast %add3A_192 : i32 to index
        %swap3A_194 = arith.constant 16 : index
        %swap3A_195 = tpu.vector_load %arg11[%swap3A_193, %swap3A_194] {strides = array<i32>} : memref<200x64xf32, #tpu.memory_space<vmem>>, vector<1x16xf32>,
        %swap3A_196 = vector.shape_cast %swap3A_195 : vector<1x16xf32> to vector<16xf32>
        %swap3A_197 = vector.shape_cast %add3A_190 : vector<16xf32> to vector<1x16xf32>
        tpu.vector_store %arg11[%swap3A_193, %swap3A_194], %swap3A_197 {strides = array<i32>} : memref<200x64xf32, #tpu.memory_space<vmem>>, vector<1x16xf32>,
        %add3A_198 = arith.constant 0 : i32
        %add3A_199 = arith.addi %mul3A_159, %add3A_198 : i32
        %get3A_200 = arith.index_cast %add3A_199 : i32 to index
        %get3A_201 = arith.constant 32 : index
        %get3A_202 = tpu.vector_load %arg9[%get3A_200, %get3A_201] {strides = array<i32>} : memref<200x64xf32, #tpu.memory_space<vmem>>, vector<1x16xf32>,
        %get3A_203 = vector.shape_cast %get3A_202 : vector<1x16xf32> to vector<16xf32>
        %add3A_204 = arith.constant 0 : i32
        %add3A_205 = arith.addi %mul3A_159, %add3A_204 : i32
        %get3A_206 = arith.index_cast %add3A_205 : i32 to index
        %get3A_207 = arith.constant 32 : index
        %get3A_208 = tpu.vector_load %arg7[%get3A_206, %get3A_207] {strides = array<i32>} : memref<200x64xf32, #tpu.memory_space<vmem>>, vector<1x16xf32>,
        %get3A_209 = vector.shape_cast %get3A_208 : vector<1x16xf32> to vector<16xf32>
        %add3A_210 = arith.addf %get3A_203, %get3A_209 : vector<16xf32>
        %add3A_211 = arith.constant 0 : i32
        %add3A_212 = arith.addi %mul3A_159, %add3A_211 : i32
        %swap3A_213 = arith.index_cast %add3A_212 : i32 to index
        %swap3A_214 = arith.constant 32 : index
        %swap3A_215 = tpu.vector_load %arg11[%swap3A_213, %swap3A_214] {strides = array<i32>} : memref<200x64xf32, #tpu.memory_space<vmem>>, vector<1x16xf32>,
        %swap3A_216 = vector.shape_cast %swap3A_215 : vector<1x16xf32> to vector<16xf32>
        %swap3A_217 = vector.shape_cast %add3A_210 : vector<16xf32> to vector<1x16xf32>
        tpu.vector_store %arg11[%swap3A_213, %swap3A_214], %swap3A_217 {strides = array<i32>} : memref<200x64xf32, #tpu.memory_space<vmem>>, vector<1x16xf32>,
        %add3A_218 = arith.constant 0 : i32
        %add3A_219 = arith.addi %mul3A_159, %add3A_218 : i32
        %get3A_220 = arith.index_cast %add3A_219 : i32 to index
        %get3A_221 = arith.constant 48 : index
        %get3A_222 = tpu.vector_load %arg9[%get3A_220, %get3A_221] {strides = array<i32>} : memref<200x64xf32, #tpu.memory_space<vmem>>, vector<1x16xf32>,
        %get3A_223 = vector.shape_cast %get3A_222 : vector<1x16xf32> to vector<16xf32>
        %add3A_224 = arith.constant 0 : i32
        %add3A_225 = arith.addi %mul3A_159, %add3A_224 : i32
        %get3A_226 = arith.index_cast %add3A_225 : i32 to index
        %get3A_227 = arith.constant 48 : index
        %get3A_228 = tpu.vector_load %arg7[%get3A_226, %get3A_227] {strides = array<i32>} : memref<200x64xf32, #tpu.memory_space<vmem>>, vector<1x16xf32>,
        %get3A_229 = vector.shape_cast %get3A_228 : vector<1x16xf32> to vector<16xf32>
        %add3A_230 = arith.addf %get3A_223, %get3A_229 : vector<16xf32>
        %add3A_231 = arith.constant 0 : i32
        %add3A_232 = arith.addi %mul3A_159, %add3A_231 : i32
        %swap3A_233 = arith.index_cast %add3A_232 : i32 to index
        %swap3A_234 = arith.constant 48 : index
        %swap3A_235 = tpu.vector_load %arg11[%swap3A_233, %swap3A_234] {strides = array<i32>} : memref<200x64xf32, #tpu.memory_space<vmem>>, vector<1x16xf32>,
        %swap3A_236 = vector.shape_cast %swap3A_235 : vector<1x16xf32> to vector<16xf32>
        %swap3A_237 = vector.shape_cast %add3A_230 : vector<16xf32> to vector<1x16xf32>
        tpu.vector_store %arg11[%swap3A_233, %swap3A_234], %swap3A_237 {strides = array<i32>} : memref<200x64xf32, #tpu.memory_space<vmem>>, vector<1x16xf32>,
        %add3A_238 = arith.constant 1 : i32
        %add3A_239 = arith.addi %mul3A_159, %add3A_238 : i32
        %get3A_240 = arith.index_cast %add3A_239 : i32 to index
        %get3A_241 = arith.constant 0 : index
        %get3A_242 = tpu.vector_load %arg9[%get3A_240, %get3A_241] {strides = array<i32>} : memref<200x64xf32, #tpu.memory_space<vmem>>, vector<1x16xf32>,
        %get3A_243 = vector.shape_cast %get3A_242 : vector<1x16xf32> to vector<16xf32>
        %add3A_244 = arith.constant 1 : i32
        %add3A_245 = arith.addi %mul3A_159, %add3A_244 : i32
        %get3A_246 = arith.index_cast %add3A_245 : i32 to index
        %get3A_247 = arith.constant 0 : index
        %get3A_248 = tpu.vector_load %arg7[%get3A_246, %get3A_247] {strides = array<i32>} : memref<200x64xf32, #tpu.memory_space<vmem>>, vector<1x16xf32>,
        %get3A_249 = vector.shape_cast %get3A_248 : vector<1x16xf32> to vector<16xf32>
        %add3A_250 = arith.addf %get3A_243, %get3A_249 : vector<16xf32>
        %add3A_251 = arith.constant 1 : i32
        %add3A_252 = arith.addi %mul3A_159, %add3A_251 : i32
        %swap3A_253 = arith.index_cast %add3A_252 : i32 to index
        %swap3A_254 = arith.constant 0 : index
        %swap3A_255 = tpu.vector_load %arg11[%swap3A_253, %swap3A_254] {strides = array<i32>} : memref<200x64xf32, #tpu.memory_space<vmem>>, vector<1x16xf32>,
        %swap3A_256 = vector.shape_cast %swap3A_255 : vector<1x16xf32> to vector<16xf32>
        %swap3A_257 = vector.shape_cast %add3A_250 : vector<16xf32> to vector<1x16xf32>
        tpu.vector_store %arg11[%swap3A_253, %swap3A_254], %swap3A_257 {strides = array<i32>} : memref<200x64xf32, #tpu.memory_space<vmem>>, vector<1x16xf32>,
        %add3A_258 = arith.constant 1 : i32
        %add3A_259 = arith.addi %mul3A_159, %add3A_258 : i32
        %get3A_260 = arith.index_cast %add3A_259 : i32 to index
        %get3A_261 = arith.constant 16 : index
        %get3A_262 = tpu.vector_load %arg9[%get3A_260, %get3A_261] {strides = array<i32>} : memref<200x64xf32, #tpu.memory_space<vmem>>, vector<1x16xf32>,
        %get3A_263 = vector.shape_cast %get3A_262 : vector<1x16xf32> to vector<16xf32>
        %add3A_264 = arith.constant 1 : i32
        %add3A_265 = arith.addi %mul3A_159, %add3A_264 : i32
        %get3A_266 = arith.index_cast %add3A_265 : i32 to index
        %get3A_267 = arith.constant 16 : index
        %get3A_268 = tpu.vector_load %arg7[%get3A_266, %get3A_267] {strides = array<i32>} : memref<200x64xf32, #tpu.memory_space<vmem>>, vector<1x16xf32>,
        %get3A_269 = vector.shape_cast %get3A_268 : vector<1x16xf32> to vector<16xf32>
        %add3A_270 = arith.addf %get3A_263, %get3A_269 : vector<16xf32>
        %add3A_271 = arith.constant 1 : i32
        %add3A_272 = arith.addi %mul3A_159, %add3A_271 : i32
        %swap3A_273 = arith.index_cast %add3A_272 : i32 to index
        %swap3A_274 = arith.constant 16 : index
        %swap3A_275 = tpu.vector_load %arg11[%swap3A_273, %swap3A_274] {strides = array<i32>} : memref<200x64xf32, #tpu.memory_space<vmem>>, vector<1x16xf32>,
        %swap3A_276 = vector.shape_cast %swap3A_275 : vector<1x16xf32> to vector<16xf32>
        %swap3A_277 = vector.shape_cast %add3A_270 : vector<16xf32> to vector<1x16xf32>
        tpu.vector_store %arg11[%swap3A_273, %swap3A_274], %swap3A_277 {strides = array<i32>} : memref<200x64xf32, #tpu.memory_space<vmem>>, vector<1x16xf32>,
        %add3A_278 = arith.constant 1 : i32
        %add3A_279 = arith.addi %mul3A_159, %add3A_278 : i32
        %get3A_280 = arith.index_cast %add3A_279 : i32 to index
        %get3A_281 = arith.constant 32 : index
        %get3A_282 = tpu.vector_load %arg9[%get3A_280, %get3A_281] {strides = array<i32>} : memref<200x64xf32, #tpu.memory_space<vmem>>, vector<1x16xf32>,
        %get3A_283 = vector.shape_cast %get3A_282 : vector<1x16xf32> to vector<16xf32>
        %add3A_284 = arith.constant 1 : i32
        %add3A_285 = arith.addi %mul3A_159, %add3A_284 : i32
        %get3A_286 = arith.index_cast %add3A_285 : i32 to index
        %get3A_287 = arith.constant 32 : index
        %get3A_288 = tpu.vector_load %arg7[%get3A_286, %get3A_287] {strides = array<i32>} : memref<200x64xf32, #tpu.memory_space<vmem>>, vector<1x16xf32>,
        %get3A_289 = vector.shape_cast %get3A_288 : vector<1x16xf32> to vector<16xf32>
        %add3A_290 = arith.addf %get3A_283, %get3A_289 : vector<16xf32>
        %add3A_291 = arith.constant 1 : i32
        %add3A_292 = arith.addi %mul3A_159, %add3A_291 : i32
        %swap3A_293 = arith.index_cast %add3A_292 : i32 to index
        %swap3A_294 = arith.constant 32 : index
        %swap3A_295 = tpu.vector_load %arg11[%swap3A_293, %swap3A_294] {strides = array<i32>} : memref<200x64xf32, #tpu.memory_space<vmem>>, vector<1x16xf32>,
        %swap3A_296 = vector.shape_cast %swap3A_295 : vector<1x16xf32> to vector<16xf32>
        %swap3A_297 = vector.shape_cast %add3A_290 : vector<16xf32> to vector<1x16xf32>
        tpu.vector_store %arg11[%swap3A_293, %swap3A_294], %swap3A_297 {strides = array<i32>} : memref<200x64xf32, #tpu.memory_space<vmem>>, vector<1x16xf32>,
        %add3A_298 = arith.constant 1 : i32
        %add3A_299 = arith.addi %mul3A_159, %add3A_298 : i32
        %get3A_300 = arith.index_cast %add3A_299 : i32 to index
        %get3A_301 = arith.constant 48 : index
        %get3A_302 = tpu.vector_load %arg9[%get3A_300, %get3A_301] {strides = array<i32>} : memref<200x64xf32, #tpu.memory_space<vmem>>, vector<1x16xf32>,
        %get3A_303 = vector.shape_cast %get3A_302 : vector<1x16xf32> to vector<16xf32>
        %add3A_304 = arith.constant 1 : i32
        %add3A_305 = arith.addi %mul3A_159, %add3A_304 : i32
        %get3A_306 = arith.index_cast %add3A_305 : i32 to index
        %get3A_307 = arith.constant 48 : index
        %get3A_308 = tpu.vector_load %arg7[%get3A_306, %get3A_307] {strides = array<i32>} : memref<200x64xf32, #tpu.memory_space<vmem>>, vector<1x16xf32>,
        %get3A_309 = vector.shape_cast %get3A_308 : vector<1x16xf32> to vector<16xf32>
        %add3A_310 = arith.addf %get3A_303, %get3A_309 : vector<16xf32>
        %add3A_311 = arith.constant 1 : i32
        %add3A_312 = arith.addi %mul3A_159, %add3A_311 : i32
        %swap3A_313 = arith.index_cast %add3A_312 : i32 to index
        %swap3A_314 = arith.constant 48 : index
        %swap3A_315 = tpu.vector_load %arg11[%swap3A_313, %swap3A_314] {strides = array<i32>} : memref<200x64xf32, #tpu.memory_space<vmem>>, vector<1x16xf32>,
        %swap3A_316 = vector.shape_cast %swap3A_315 : vector<1x16xf32> to vector<16xf32>
        %swap3A_317 = vector.shape_cast %add3A_310 : vector<16xf32> to vector<1x16xf32>
        tpu.vector_store %arg11[%swap3A_313, %swap3A_314], %swap3A_317 {strides = array<i32>} : memref<200x64xf32, #tpu.memory_space<vmem>>, vector<1x16xf32>,
        %add3A_318 = arith.constant 2 : i32
        %add3A_319 = arith.addi %mul3A_159, %add3A_318 : i32
        %get3A_320 = arith.index_cast %add3A_319 : i32 to index
        %get3A_321 = arith.constant 0 : index
        %get3A_322 = tpu.vector_load %arg9[%get3A_320, %get3A_321] {strides = array<i32>} : memref<200x64xf32, #tpu.memory_space<vmem>>, vector<1x16xf32>,
        %get3A_323 = vector.shape_cast %get3A_322 : vector<1x16xf32> to vector<16xf32>
        %add3A_324 = arith.constant 2 : i32
        %add3A_325 = arith.addi %mul3A_159, %add3A_324 : i32
        %get3A_326 = arith.index_cast %add3A_325 : i32 to index
        %get3A_327 = arith.constant 0 : index
        %get3A_328 = tpu.vector_load %arg7[%get3A_326, %get3A_327] {strides = array<i32>} : memref<200x64xf32, #tpu.memory_space<vmem>>, vector<1x16xf32>,
        %get3A_329 = vector.shape_cast %get3A_328 : vector<1x16xf32> to vector<16xf32>
        %add3A_330 = arith.addf %get3A_323, %get3A_329 : vector<16xf32>
        %add3A_331 = arith.constant 2 : i32
        %add3A_332 = arith.addi %mul3A_159, %add3A_331 : i32
        %swap3A_333 = arith.index_cast %add3A_332 : i32 to index
        %swap3A_334 = arith.constant 0 : index
        %swap3A_335 = tpu.vector_load %arg11[%swap3A_333, %swap3A_334] {strides = array<i32>} : memref<200x64xf32, #tpu.memory_space<vmem>>, vector<1x16xf32>,
        %swap3A_336 = vector.shape_cast %swap3A_335 : vector<1x16xf32> to vector<16xf32>
        %swap3A_337 = vector.shape_cast %add3A_330 : vector<16xf32> to vector<1x16xf32>
        tpu.vector_store %arg11[%swap3A_333, %swap3A_334], %swap3A_337 {strides = array<i32>} : memref<200x64xf32, #tpu.memory_space<vmem>>, vector<1x16xf32>,
        %add3A_338 = arith.constant 2 : i32
        %add3A_339 = arith.addi %mul3A_159, %add3A_338 : i32
        %get3A_340 = arith.index_cast %add3A_339 : i32 to index
        %get3A_341 = arith.constant 16 : index
        %get3A_342 = tpu.vector_load %arg9[%get3A_340, %get3A_341] {strides = array<i32>} : memref<200x64xf32, #tpu.memory_space<vmem>>, vector<1x16xf32>,
        %get3A_343 = vector.shape_cast %get3A_342 : vector<1x16xf32> to vector<16xf32>
        %add3A_344 = arith.constant 2 : i32
        %add3A_345 = arith.addi %mul3A_159, %add3A_344 : i32
        %get3A_346 = arith.index_cast %add3A_345 : i32 to index
        %get3A_347 = arith.constant 16 : index
        %get3A_348 = tpu.vector_load %arg7[%get3A_346, %get3A_347] {strides = array<i32>} : memref<200x64xf32, #tpu.memory_space<vmem>>, vector<1x16xf32>,
        %get3A_349 = vector.shape_cast %get3A_348 : vector<1x16xf32> to vector<16xf32>
        %add3A_350 = arith.addf %get3A_343, %get3A_349 : vector<16xf32>
        %add3A_351 = arith.constant 2 : i32
        %add3A_352 = arith.addi %mul3A_159, %add3A_351 : i32
        %swap3A_353 = arith.index_cast %add3A_352 : i32 to index
        %swap3A_354 = arith.constant 16 : index
        %swap3A_355 = tpu.vector_load %arg11[%swap3A_353, %swap3A_354] {strides = array<i32>} : memref<200x64xf32, #tpu.memory_space<vmem>>, vector<1x16xf32>,
        %swap3A_356 = vector.shape_cast %swap3A_355 : vector<1x16xf32> to vector<16xf32>
        %swap3A_357 = vector.shape_cast %add3A_350 : vector<16xf32> to vector<1x16xf32>
        tpu.vector_store %arg11[%swap3A_353, %swap3A_354], %swap3A_357 {strides = array<i32>} : memref<200x64xf32, #tpu.memory_space<vmem>>, vector<1x16xf32>,
        %add3A_358 = arith.constant 2 : i32
        %add3A_359 = arith.addi %mul3A_159, %add3A_358 : i32
        %get3A_360 = arith.index_cast %add3A_359 : i32 to index
        %get3A_361 = arith.constant 32 : index
        %get3A_362 = tpu.vector_load %arg9[%get3A_360, %get3A_361] {strides = array<i32>} : memref<200x64xf32, #tpu.memory_space<vmem>>, vector<1x16xf32>,
        %get3A_363 = vector.shape_cast %get3A_362 : vector<1x16xf32> to vector<16xf32>
        %add3A_364 = arith.constant 2 : i32
        %add3A_365 = arith.addi %mul3A_159, %add3A_364 : i32
        %get3A_366 = arith.index_cast %add3A_365 : i32 to index
        %get3A_367 = arith.constant 32 : index
        %get3A_368 = tpu.vector_load %arg7[%get3A_366, %get3A_367] {strides = array<i32>} : memref<200x64xf32, #tpu.memory_space<vmem>>, vector<1x16xf32>,
        %get3A_369 = vector.shape_cast %get3A_368 : vector<1x16xf32> to vector<16xf32>
        %add3A_370 = arith.addf %get3A_363, %get3A_369 : vector<16xf32>
        %add3A_371 = arith.constant 2 : i32
        %add3A_372 = arith.addi %mul3A_159, %add3A_371 : i32
        %swap3A_373 = arith.index_cast %add3A_372 : i32 to index
        %swap3A_374 = arith.constant 32 : index
        %swap3A_375 = tpu.vector_load %arg11[%swap3A_373, %swap3A_374] {strides = array<i32>} : memref<200x64xf32, #tpu.memory_space<vmem>>, vector<1x16xf32>,
        %swap3A_376 = vector.shape_cast %swap3A_375 : vector<1x16xf32> to vector<16xf32>
        %swap3A_377 = vector.shape_cast %add3A_370 : vector<16xf32> to vector<1x16xf32>
        tpu.vector_store %arg11[%swap3A_373, %swap3A_374], %swap3A_377 {strides = array<i32>} : memref<200x64xf32, #tpu.memory_space<vmem>>, vector<1x16xf32>,
        %add3A_378 = arith.constant 2 : i32
        %add3A_379 = arith.addi %mul3A_159, %add3A_378 : i32
        %get3A_380 = arith.index_cast %add3A_379 : i32 to index
        %get3A_381 = arith.constant 48 : index
        %get3A_382 = tpu.vector_load %arg9[%get3A_380, %get3A_381] {strides = array<i32>} : memref<200x64xf32, #tpu.memory_space<vmem>>, vector<1x16xf32>,
        %get3A_383 = vector.shape_cast %get3A_382 : vector<1x16xf32> to vector<16xf32>
        %add3A_384 = arith.constant 2 : i32
        %add3A_385 = arith.addi %mul3A_159, %add3A_384 : i32
        %get3A_386 = arith.index_cast %add3A_385 : i32 to index
        %get3A_387 = arith.constant 48 : index
        %get3A_388 = tpu.vector_load %arg7[%get3A_386, %get3A_387] {strides = array<i32>} : memref<200x64xf32, #tpu.memory_space<vmem>>, vector<1x16xf32>,
        %get3A_389 = vector.shape_cast %get3A_388 : vector<1x16xf32> to vector<16xf32>
        %add3A_390 = arith.addf %get3A_383, %get3A_389 : vector<16xf32>
        %add3A_391 = arith.constant 2 : i32
        %add3A_392 = arith.addi %mul3A_159, %add3A_391 : i32
        %swap3A_393 = arith.index_cast %add3A_392 : i32 to index
        %swap3A_394 = arith.constant 48 : index
        %swap3A_395 = tpu.vector_load %arg11[%swap3A_393, %swap3A_394] {strides = array<i32>} : memref<200x64xf32, #tpu.memory_space<vmem>>, vector<1x16xf32>,
        %swap3A_396 = vector.shape_cast %swap3A_395 : vector<1x16xf32> to vector<16xf32>
        %swap3A_397 = vector.shape_cast %add3A_390 : vector<16xf32> to vector<1x16xf32>
        tpu.vector_store %arg11[%swap3A_393, %swap3A_394], %swap3A_397 {strides = array<i32>} : memref<200x64xf32, #tpu.memory_space<vmem>>, vector<1x16xf32>,
        %add3A_398 = arith.constant 3 : i32
        %add3A_399 = arith.addi %mul3A_159, %add3A_398 : i32
        %get3A_400 = arith.index_cast %add3A_399 : i32 to index
        %get3A_401 = arith.constant 0 : index
        %get3A_402 = tpu.vector_load %arg9[%get3A_400, %get3A_401] {strides = array<i32>} : memref<200x64xf32, #tpu.memory_space<vmem>>, vector<1x16xf32>,
        %get3A_403 = vector.shape_cast %get3A_402 : vector<1x16xf32> to vector<16xf32>
        %add3A_404 = arith.constant 3 : i32
        %add3A_405 = arith.addi %mul3A_159, %add3A_404 : i32
        %get3A_406 = arith.index_cast %add3A_405 : i32 to index
        %get3A_407 = arith.constant 0 : index
        %get3A_408 = tpu.vector_load %arg7[%get3A_406, %get3A_407] {strides = array<i32>} : memref<200x64xf32, #tpu.memory_space<vmem>>, vector<1x16xf32>,
        %get3A_409 = vector.shape_cast %get3A_408 : vector<1x16xf32> to vector<16xf32>
        %add3A_410 = arith.addf %get3A_403, %get3A_409 : vector<16xf32>
        %add3A_411 = arith.constant 3 : i32
        %add3A_412 = arith.addi %mul3A_159, %add3A_411 : i32
        %swap3A_413 = arith.index_cast %add3A_412 : i32 to index
        %swap3A_414 = arith.constant 0 : index
        %swap3A_415 = tpu.vector_load %arg11[%swap3A_413, %swap3A_414] {strides = array<i32>} : memref<200x64xf32, #tpu.memory_space<vmem>>, vector<1x16xf32>,
        %swap3A_416 = vector.shape_cast %swap3A_415 : vector<1x16xf32> to vector<16xf32>
        %swap3A_417 = vector.shape_cast %add3A_410 : vector<16xf32> to vector<1x16xf32>
        tpu.vector_store %arg11[%swap3A_413, %swap3A_414], %swap3A_417 {strides = array<i32>} : memref<200x64xf32, #tpu.memory_space<vmem>>, vector<1x16xf32>,
        %add3A_418 = arith.constant 3 : i32
        %add3A_419 = arith.addi %mul3A_159, %add3A_418 : i32
        %get3A_420 = arith.index_cast %add3A_419 : i32 to index
        %get3A_421 = arith.constant 16 : index
        %get3A_422 = tpu.vector_load %arg9[%get3A_420, %get3A_421] {strides = array<i32>} : memref<200x64xf32, #tpu.memory_space<vmem>>, vector<1x16xf32>,
        %get3A_423 = vector.shape_cast %get3A_422 : vector<1x16xf32> to vector<16xf32>
        %add3A_424 = arith.constant 3 : i32
        %add3A_425 = arith.addi %mul3A_159, %add3A_424 : i32
        %get3A_426 = arith.index_cast %add3A_425 : i32 to index
        %get3A_427 = arith.constant 16 : index
        %get3A_428 = tpu.vector_load %arg7[%get3A_426, %get3A_427] {strides = array<i32>} : memref<200x64xf32, #tpu.memory_space<vmem>>, vector<1x16xf32>,
        %get3A_429 = vector.shape_cast %get3A_428 : vector<1x16xf32> to vector<16xf32>
        %add3A_430 = arith.addf %get3A_423, %get3A_429 : vector<16xf32>
        %add3A_431 = arith.constant 3 : i32
        %add3A_432 = arith.addi %mul3A_159, %add3A_431 : i32
        %swap3A_433 = arith.index_cast %add3A_432 : i32 to index
        %swap3A_434 = arith.constant 16 : index
        %swap3A_435 = tpu.vector_load %arg11[%swap3A_433, %swap3A_434] {strides = array<i32>} : memref<200x64xf32, #tpu.memory_space<vmem>>, vector<1x16xf32>,
        %swap3A_436 = vector.shape_cast %swap3A_435 : vector<1x16xf32> to vector<16xf32>
        %swap3A_437 = vector.shape_cast %add3A_430 : vector<16xf32> to vector<1x16xf32>
        tpu.vector_store %arg11[%swap3A_433, %swap3A_434], %swap3A_437 {strides = array<i32>} : memref<200x64xf32, #tpu.memory_space<vmem>>, vector<1x16xf32>,
        %add3A_438 = arith.constant 3 : i32
        %add3A_439 = arith.addi %mul3A_159, %add3A_438 : i32
        %get3A_440 = arith.index_cast %add3A_439 : i32 to index
        %get3A_441 = arith.constant 32 : index
        %get3A_442 = tpu.vector_load %arg9[%get3A_440, %get3A_441] {strides = array<i32>} : memref<200x64xf32, #tpu.memory_space<vmem>>, vector<1x16xf32>,
        %get3A_443 = vector.shape_cast %get3A_442 : vector<1x16xf32> to vector<16xf32>
        %add3A_444 = arith.constant 3 : i32
        %add3A_445 = arith.addi %mul3A_159, %add3A_444 : i32
        %get3A_446 = arith.index_cast %add3A_445 : i32 to index
        %get3A_447 = arith.constant 32 : index
        %get3A_448 = tpu.vector_load %arg7[%get3A_446, %get3A_447] {strides = array<i32>} : memref<200x64xf32, #tpu.memory_space<vmem>>, vector<1x16xf32>,
        %get3A_449 = vector.shape_cast %get3A_448 : vector<1x16xf32> to vector<16xf32>
        %add3A_450 = arith.addf %get3A_443, %get3A_449 : vector<16xf32>
        %add3A_451 = arith.constant 3 : i32
        %add3A_452 = arith.addi %mul3A_159, %add3A_451 : i32
        %swap3A_453 = arith.index_cast %add3A_452 : i32 to index
        %swap3A_454 = arith.constant 32 : index
        %swap3A_455 = tpu.vector_load %arg11[%swap3A_453, %swap3A_454] {strides = array<i32>} : memref<200x64xf32, #tpu.memory_space<vmem>>, vector<1x16xf32>,
        %swap3A_456 = vector.shape_cast %swap3A_455 : vector<1x16xf32> to vector<16xf32>
        %swap3A_457 = vector.shape_cast %add3A_450 : vector<16xf32> to vector<1x16xf32>
        tpu.vector_store %arg11[%swap3A_453, %swap3A_454], %swap3A_457 {strides = array<i32>} : memref<200x64xf32, #tpu.memory_space<vmem>>, vector<1x16xf32>,
        %add3A_458 = arith.constant 3 : i32
        %add3A_459 = arith.addi %mul3A_159, %add3A_458 : i32
        %get3A_460 = arith.index_cast %add3A_459 : i32 to index
        %get3A_461 = arith.constant 48 : index
        %get3A_462 = tpu.vector_load %arg9[%get3A_460, %get3A_461] {strides = array<i32>} : memref<200x64xf32, #tpu.memory_space<vmem>>, vector<1x16xf32>,
        %get3A_463 = vector.shape_cast %get3A_462 : vector<1x16xf32> to vector<16xf32>
        %add3A_464 = arith.constant 3 : i32
        %add3A_465 = arith.addi %mul3A_159, %add3A_464 : i32
        %get3A_466 = arith.index_cast %add3A_465 : i32 to index
        %get3A_467 = arith.constant 48 : index
        %get3A_468 = tpu.vector_load %arg7[%get3A_466, %get3A_467] {strides = array<i32>} : memref<200x64xf32, #tpu.memory_space<vmem>>, vector<1x16xf32>,
        %get3A_469 = vector.shape_cast %get3A_468 : vector<1x16xf32> to vector<16xf32>
        %add3A_470 = arith.addf %get3A_463, %get3A_469 : vector<16xf32>
        %add3A_471 = arith.constant 3 : i32
        %add3A_472 = arith.addi %mul3A_159, %add3A_471 : i32
        %swap3A_473 = arith.index_cast %add3A_472 : i32 to index
        %swap3A_474 = arith.constant 48 : index
        %swap3A_475 = tpu.vector_load %arg11[%swap3A_473, %swap3A_474] {strides = array<i32>} : memref<200x64xf32, #tpu.memory_space<vmem>>, vector<1x16xf32>,
        %swap3A_476 = vector.shape_cast %swap3A_475 : vector<1x16xf32> to vector<16xf32>
        %swap3A_477 = vector.shape_cast %add3A_470 : vector<16xf32> to vector<1x16xf32>
        tpu.vector_store %arg11[%swap3A_473, %swap3A_474], %swap3A_477 {strides = array<i32>} : memref<200x64xf32, #tpu.memory_space<vmem>>, vector<1x16xf32>,
      }
      %scan3A_142 = arith.constant 50 : i32
      %add3A_143 = arith.addi %mul3A_2, %add3A_113 : i32
      %dma_start3A_144 = arith.constant 0 : i32
      %dma_start3A_145 = arith.constant 0 : i32
      %dma_start3A_146 = tpu.memref_slice %arg5[%add3A_143, %dma_start3A_144, %dma_start3A_145] : memref<4096x200x64xf32, #tpu.memory_space<hbm>> -> memref<1x200x64xf32, #tpu.memory_space<hbm>>
      %dma_start3A_147 = tpu.memref_squeeze %dma_start3A_146 : memref<1x200x64xf32, #tpu.memory_space<hbm>> -> memref<200x64xf32, #tpu.memory_space<hbm>>
      %dma_start3A_148 = arith.constant 0 : i32
      %dma_start3A_149 = arith.constant 0 : i32
      %dma_start3A_150 = tpu.memref_slice %arg5[%add3A_143, %dma_start3A_148, %dma_start3A_149] : memref<4096x200x64xf32, #tpu.memory_space<hbm>> -> memref<1x200x64xf32, #tpu.memory_space<hbm>>
      %dma_start3A_151 = tpu.memref_squeeze %dma_start3A_150 : memref<1x200x64xf32, #tpu.memory_space<hbm>> -> memref<200x64xf32, #tpu.memory_space<hbm>>
      tpu.enqueue_dma source(%arg11 : memref<200x64xf32, #tpu.memory_space<vmem>>) target(%dma_start3A_151 : memref<200x64xf32, #tpu.memory_space<hbm>>) target_semaphore(%arg15 : memref<!tpu.dma_semaphore, #tpu.memory_space<semaphore_mem>>)
      %lt3A_152 = arith.constant 63 : i32
      %lt3A_153 = arith.cmpi slt, %scan3A_66, %lt3A_152 : i32
      %convert_element_type3A_154 = arith.extui %lt3A_153 : i1 to i32
      %cond3A_155 = arith.constant 0 : i32
      %cond3A_156 = arith.cmpi ne, %convert_element_type3A_154, %cond3A_155 : i32
      scf.if %cond3A_156 {
        %add3A_157 = arith.constant 2 : i32
        %add3A_158 = arith.addi %add3A_113, %add3A_157 : i32
        %dma_start3A_159 = arith.constant 0 : i32
        %dma_start3A_160 = arith.constant 0 : i32
        %dma_start3A_161 = tpu.memref_slice %arg9[%dma_start3A_159, %dma_start3A_160] : memref<200x64xf32, #tpu.memory_space<vmem>> -> memref<96x64xf32, #tpu.memory_space<vmem>>
        %dma_start3A_162 = arith.constant 0 : i32
        %dma_start3A_163 = tpu.memref_slice %arg6[%add3A_158, %dma_start3A_162] : memref<128x200xi32, #tpu.memory_space<vmem>> -> memref<1x96xi32, #tpu.memory_space<vmem>>
        %dma_start3A_164 = tpu.memref_squeeze %dma_start3A_163 : memref<1x96xi32, #tpu.memory_space<vmem>> -> memref<96xi32, #tpu.memory_space<vmem>>
        %dma_start3A_165 = arith.constant 0 : i32
        %dma_start3A_166 = arith.constant 0 : i32
        %dma_start3A_167 = tpu.memref_slice %arg3[%dma_start3A_165, %dma_start3A_166] : memref<1000000x64xf32, #tpu.memory_space<hbm>> -> memref<1000000x64xf32, #tpu.memory_space<hbm>>
        tpu.enqueue_indirect_dma source(%dma_start3A_167 : memref<1000000x64xf32, #tpu.memory_space<hbm>>) target(%dma_start3A_161 : memref<96x64xf32, #tpu.memory_space<vmem>>) offsets(%dma_start3A_164 : memref<96xi32, #tpu.memory_space<vmem>>) semaphore(%arg13 : memref<!tpu.dma_semaphore, #tpu.memory_space<semaphore_mem>>)
        %dma_start3A_168 = arith.constant 96 : i32
        %dma_start3A_169 = arith.constant 0 : i32
        %dma_start3A_170 = tpu.memref_slice %arg9[%dma_start3A_168, %dma_start3A_169] : memref<200x64xf32, #tpu.memory_space<vmem>> -> memref<104x64xf32, #tpu.memory_space<vmem>>
        %dma_start3A_171 = arith.constant 96 : i32
        %dma_start3A_172 = tpu.memref_slice %arg6[%add3A_158, %dma_start3A_171] : memref<128x200xi32, #tpu.memory_space<vmem>> -> memref<1x104xi32, #tpu.memory_space<vmem>>
        %dma_start3A_173 = tpu.memref_squeeze %dma_start3A_172 : memref<1x104xi32, #tpu.memory_space<vmem>> -> memref<104xi32, #tpu.memory_space<vmem>>
        %dma_start3A_174 = arith.constant 0 : i32
        %dma_start3A_175 = arith.constant 0 : i32
        %dma_start3A_176 = tpu.memref_slice %arg3[%dma_start3A_174, %dma_start3A_175] : memref<1000000x64xf32, #tpu.memory_space<hbm>> -> memref<1000000x64xf32, #tpu.memory_space<hbm>>
        tpu.enqueue_indirect_dma source(%dma_start3A_176 : memref<1000000x64xf32, #tpu.memory_space<hbm>>) target(%dma_start3A_170 : memref<104x64xf32, #tpu.memory_space<vmem>>) offsets(%dma_start3A_173 : memref<104xi32, #tpu.memory_space<vmem>>) semaphore(%arg13 : memref<!tpu.dma_semaphore, #tpu.memory_space<semaphore_mem>>)
      } else {
      }
    }
    %scan3A_46 = arith.constant 64 : i32
    %add3A_47 = arith.constant 126 : i32
    %add3A_48 = arith.addi %mul3A_2, %add3A_47 : i32
    %dma_wait3A = arith.constant 0 : i32
    %dma_wait3A_49 = arith.constant 0 : i32
    %dma_wait3A_50 = tpu.memref_slice %arg5[%add3A_48, %dma_wait3A, %dma_wait3A_49] : memref<4096x200x64xf32, #tpu.memory_space<hbm>> -> memref<1x200x64xf32, #tpu.memory_space<hbm>>
    %dma_wait3A_51 = tpu.memref_squeeze %dma_wait3A_50 : memref<1x200x64xf32, #tpu.memory_space<hbm>> -> memref<200x64xf32, #tpu.memory_space<hbm>>
    %dma_wait3A_52 = arith.constant 0 : i32
    %dma_wait3A_53 = arith.constant 0 : i32
    %dma_wait3A_54 = tpu.memref_slice %arg5[%add3A_48, %dma_wait3A_52, %dma_wait3A_53] : memref<4096x200x64xf32, #tpu.memory_space<hbm>> -> memref<1x200x64xf32, #tpu.memory_space<hbm>>
    %dma_wait3A_55 = tpu.memref_squeeze %dma_wait3A_54 : memref<1x200x64xf32, #tpu.memory_space<hbm>> -> memref<200x64xf32, #tpu.memory_space<hbm>>
    tpu.wait_dma2 semaphore(%arg14 : memref<!tpu.dma_semaphore, #tpu.memory_space<semaphore_mem>>) src(%arg10 : memref<200x64xf32, #tpu.memory_space<vmem>>) dst(%dma_wait3A_55 : memref<200x64xf32, #tpu.memory_space<hbm>>)
    %add3A_56 = arith.constant 127 : i32
    %add3A_57 = arith.addi %mul3A_2, %add3A_56 : i32
    %dma_wait3A_58 = arith.constant 0 : i32
    %dma_wait3A_59 = arith.constant 0 : i32
    %dma_wait3A_60 = tpu.memref_slice %arg5[%add3A_57, %dma_wait3A_58, %dma_wait3A_59] : memref<4096x200x64xf32, #tpu.memory_space<hbm>> -> memref<1x200x64xf32, #tpu.memory_space<hbm>>
    %dma_wait3A_61 = tpu.memref_squeeze %dma_wait3A_60 : memref<1x200x64xf32, #tpu.memory_space<hbm>> -> memref<200x64xf32, #tpu.memory_space<hbm>>
    %dma_wait3A_62 = arith.constant 0 : i32
    %dma_wait3A_63 = arith.constant 0 : i32
    %dma_wait3A_64 = tpu.memref_slice %arg5[%add3A_57, %dma_wait3A_62, %dma_wait3A_63] : memref<4096x200x64xf32, #tpu.memory_space<hbm>> -> memref<1x200x64xf32, #tpu.memory_space<hbm>>
    %dma_wait3A_65 = tpu.memref_squeeze %dma_wait3A_64 : memref<1x200x64xf32, #tpu.memory_space<hbm>> -> memref<200x64xf32, #tpu.memory_space<hbm>>
    tpu.wait_dma2 semaphore(%arg15 : memref<!tpu.dma_semaphore, #tpu.memory_space<semaphore_mem>>) src(%arg11 : memref<200x64xf32, #tpu.memory_space<vmem>>) dst(%dma_wait3A_65 : memref<200x64xf32, #tpu.memory_space<hbm>>)
    return
  }
}

</mosaic_0001>

<sc_bundles>
// kernel: kernel.3.cloned.1.call-start
scs
__scs_entry_jumppad:
0x0: {  	(pc) =	sbr.rel $0x88, $3  }
0x1: {  	(tag) =	ssettag $0x0;
	lr =	simm.s32 $0x1  }
0x2: {  	[smem:$0x3F9E] =	sst lr;
	_ =	strace $0xD0000000  }
0x3: {  	_ = 	snop  }
0x4: {  	_ = 	snop  }
0x5: {  	_ = 	snop  }
0x6: {  	_ = 	snop  }
0x7: {  	_ = 	snop  }
__scs_overlays_trampoline_lowered:
0x8: {  	[smem:$0x3FAD] =	sst s0  }
0x9: {  	[smem:$0x3FAE] =	sst s1  }
0xa: {  	[smem:$0x3FAF] =	sst s2  }
0xb: {  	[smem:$0x3FB0] =	sst s3  }
0xc: {  	[smem:$0x3FB1] =	sst s4  }
0xd: {  	[smem:$0x3FB2] =	sst s5  }
0xe: {  	[smem:$0x3FB3] =	sst s6  }
0xf: {  	[smem:$0x3FB4] =	sst s7  }
0x10: {  	[smem:$0x3FB5] =	sst s8  }
0x11: {  	[smem:$0x3FB6] =	sst s9;
	s0 =	simm.s32 @!p0 $0x0  }
0x12: {  	s1 =	sld [smem:$0x3F9C];
	s0 =	simm.s32 @p0 $0x1  }
0x13: {  	[smem:$0x3FB7] =	sst s0;
	s0 =	simm.s32 @!p1 $0x0  }
0x14: {  	s2 =	sld [smem:$0x3F9B];
	s0 =	simm.s32 @p1 $0x1  }
0x15: {  	[smem:$0x3FB8] =	sst s0;
	s0 =	simm.s32 @!p2 $0x0  }
0x16: {  	s3 =	sld [smem:$0x3FDB];
	s0 =	simm.s32 @p2 $0x1  }
0x17: {  	s4 =	simm.s32 $0x1BF5;
	[smem:$0x3FBA] =	sst s0  }
0x18: {  	s0 =	sld [smem:$0x3F9D];
	_ =	swait.ge [sflag:s4], $0x0  }
0x19: {  	s7 =	sld [smem:$0x3F9E]  }
0x1a: {  	s8 =	sadd.s32 $0xFFFFE003, lr  }
0x1b: {  	s9 =	sadd.s32 $0xFFFFFEF7, lr;
	s5 =	simm.s32 $0xFFFFFFFF;
	p2 =	slt.u32 s8, $0xFFFFF086  }
0x1c: {  	p1 =	slt.u32 s9, $0xF7A;
	s5 =	simm.s32 @!p2 $0x0  }
0x1d: {  	s5 =	simm.s32 @p1 $0x1;
	p0 =	seq.s32 s7, s2  }
0x1e: {  	s7 =	smul.u32 @!p0 $0xF7A, s2;
	p2 =	seq.s32 @!p0 s5, $0x0  }
0x1f: {  	s9 =	smul.u32 $0xF7A, s1;
	s8 =	simm.s32 @!p0 $0x1BF5;
	p2 =	por !p2, p0  }
0x20: {  	[sflag:s8] =	ssyncset.s32 @!p0 $0xFFFFF086;
	s6 =	sadd.s32 @!p0 s3, s7;
	s7 =	simm.s32 @!p0 $0x108  }
0x21: {  	s3 =	sadd.s32 s3, s9;
	s6 =	sadd.s32 @!p0 $0x88, s6;
	s7 =	simm.s32 @p2 $0x1082  }
0x22: {  	[simem:s7], [sflag:s8] =	dma.local @!p0 [hbm:s6], $0xF7A  }
0x23: {  	s9 =	sor.u32 $0xD0000000, s2;
	s6 =	simm.s32 $0x108;
	_ =	swait.ge @!p0 [sflag:s8], $0x0  }
0x24: {  	s3 =	sadd.s32 $0x88, s3;
	s6 =	simm.s32 @!p1 $0x1082;
	[sflag:s4] =	ssyncset.s32 $0xFFFFF086  }
0x25: {  	[simem:s6], [sflag:s4] =	dma.local [hbm:s3], $0xF7A  }
0x26: {  	[smem:$0x3F9E] =	sst s1;
	(tag) =	ssettag s2;
	_ =	strace s9  }
0x27: {  	s1 =	sld [smem:$0x3FAE]  }
0x28: {  	s2 =	sld [smem:$0x3FAF]  }
0x29: {  	s4 =	sld [smem:$0x3FB1]  }
0x2a: {  	p0 =	seq.s32 s5, $0x0;
	s5 =	sld [smem:$0x3FB2]  }
0x2b: {  	s6 =	sld [smem:$0x3FB3]  }
0x2c: {  	s7 =	sld [smem:$0x3FB4]  }
0x2d: {  	s3 =	simm.s32 $0x108;
	s8 =	sld [smem:$0x3FB5]  }
0x2e: {  	s3 =	simm.s32 @!p0 $0x1082;
	s9 =	sld [smem:$0x3FB6]  }
0x2f: {  	lr =	sadd.s32 s0, s3;
	s0 =	sld [smem:$0x3FAD]  }
0x30: {  	s3 =	sld [smem:$0x3FB0]  }
0x31: {  	[smem:$0x3FB9] =	sst s10  }
0x32: {  	s10 =	sld [smem:$0x3FB7];
	_ =	sdelay $0x3  }
0x33: {  	p0 =	seq.s32 s10, $0x1;
	s10 =	sld [smem:$0x3FB9];
	_ =	sdelay $0x3  }
0x34: {  	[smem:$0x3FB9] =	sst s10  }
0x35: {  	s10 =	sld [smem:$0x3FB8];
	_ =	sdelay $0x3  }
0x36: {  	p1 =	seq.s32 s10, $0x1;
	s10 =	sld [smem:$0x3FB9];
	_ =	sdelay $0x3  }
0x37: {  	[smem:$0x3FB9] =	sst s10  }
0x38: {  	s10 =	sld [smem:$0x3FBA]  }
0x39: {  	_ = 	snop;
	(pc) =	sbr.ind lr, $3  }
0x3a: {  	_ = 	snop  }
0x3b: {  	_ = 	snop  }
0x3c: {  	p2 =	seq.s32 s10, $0x1;
	s10 =	sld [smem:$0x3FB9]  }
0x3d: {  	_ =	shalt  }
0x3e: {  	_ =	shalt  }
0x3f: {  	_ =	shalt  }
0x40: {  	_ =	shalt  }
0x41: {  	_ =	shalt  }
0x42: {  	_ =	shalt  }
0x43: {  	_ =	shalt  }
0x44: {  	_ =	shalt  }
0x45: {  	_ =	shalt  }
0x46: {  	_ =	shalt  }
0x47: {  	_ =	shalt  }
0x48: {  	_ =	shalt  }
0x49: {  	_ =	shalt  }
0x4a: {  	_ =	shalt  }
0x4b: {  	_ =	shalt  }
0x4c: {  	_ =	shalt  }
0x4d: {  	_ =	shalt  }
0x4e: {  	_ =	shalt  }
0x4f: {  	_ =	shalt  }
0x50: {  	_ =	shalt  }
0x51: {  	_ =	shalt  }
0x52: {  	_ =	shalt  }
0x53: {  	_ =	shalt  }
0x54: {  	_ =	shalt  }
0x55: {  	_ =	shalt  }
0x56: {  	_ =	shalt  }
0x57: {  	_ =	shalt  }
0x58: {  	_ =	shalt  }
0x59: {  	_ =	shalt  }
0x5a: {  	_ =	shalt  }
0x5b: {  	_ =	shalt  }
0x5c: {  	_ =	shalt  }
0x5d: {  	_ =	shalt  }
0x5e: {  	_ =	shalt  }
0x5f: {  	_ =	shalt  }
0x60: {  	_ =	shalt  }
0x61: {  	_ =	shalt  }
0x62: {  	_ =	shalt  }
0x63: {  	_ =	shalt  }
0x64: {  	_ =	shalt  }
0x65: {  	_ =	shalt  }
0x66: {  	_ =	shalt  }
0x67: {  	_ =	shalt  }
0x68: {  	_ =	shalt  }
0x69: {  	_ =	shalt  }
0x6a: {  	_ =	shalt  }
0x6b: {  	_ =	shalt  }
0x6c: {  	_ =	shalt  }
0x6d: {  	_ =	shalt  }
0x6e: {  	_ =	shalt  }
0x6f: {  	_ =	shalt  }
0x70: {  	_ =	shalt  }
0x71: {  	_ =	shalt  }
0x72: {  	_ =	shalt  }
0x73: {  	_ =	shalt  }
0x74: {  	_ =	shalt  }
0x75: {  	_ =	shalt  }
0x76: {  	_ =	shalt  }
0x77: {  	_ =	shalt  }
0x78: {  	_ =	shalt  }
0x79: {  	_ =	shalt  }
0x7a: {  	_ =	shalt  }
0x7b: {  	_ =	shalt  }
0x7c: {  	_ =	shalt  }
0x7d: {  	_ =	shalt  }
0x7e: {  	_ =	shalt  }
0x7f: {  	_ =	shalt  }
0x80: {  	_ =	shalt  }
0x81: {  	_ =	shalt  }
0x82: {  	_ =	shalt  }
0x83: {  	_ =	shalt  }
0x84: {  	_ =	shalt  }
0x85: {  	_ =	shalt  }
0x86: {  	_ =	shalt  }
0x87: {  	_ =	shalt  }
.Lfunc_end0:
.L_simem_size_0:
called_computation.1_lowered:
.L_overlay_start_0:
0x88: {  	s2 =	sld [smem:$0x3FD9]  }
0x89: {  	s3 =	sld [smem:$0x3FFE];
	_ =	sdelay $0x1  }
0x8a: {  	s1 =	srdreg.scid  }
0x8b: {  	s0 =	sand.u32 $0x1, s1  }
0x8c: {  	s17 =	sshll.u32 s0, $0xA;
	s2 =	sadd.s32 s3, s2  }
0x8d: {  	s2 =	sadd.s32 s2, s17  }
0x8e: {  	[smem:$0x3FC5] =	sst s2  }
0x8f: {  	_ = 	snop  }
0x90: {  	s2 =	sld [smem:$0x3FD0];
	(tm) =	ssettm $0x1  }
0x91: {  	s18 =	sld [smem:$0x3FFB];
	_ =	sdelay $0x3  }
0x92: {  	_ =	strace s18  }
0x93: {  	s3 =	sld [smem:$0x3FFC];
	_ =	sdelay $0x3  }
0x94: {  	_ =	strace s3  }
0x95: {  	s3 =	sld [smem:$0x3FFD];
	_ =	sdelay $0x3  }
0x96: {  	_ =	strace s3  }
0x97: {  	_ =	strace $0x8FFFFFFF  }
0x98: {  	s19 =	sld [smem:$0x3FDB];
	_ =	sdelay $0x1  }
0x99: {  	s4 =	simm.s32 $_scs_section_size  }
0x9a: {  	s5 =	simm.s32 $_size__tile_overlayer_lowered;
	s6 =	simm.s32 $_tile_overlayer_lowered  }
0x9b: {  	s22 =	simm.s32 $0x1BFF;
	s21 =	sshll.u32 s6, $0x1;
	s3 =	sadd.s32 s4, s19  }
0x9c: {  	s7 =	simm.s32 $0x0;
	s20 =	sshll.u32 s5, $0x1;
	s5 =	sadd.s32 s21, s3  }
0x9d: {  	[timem:s7], [sflag:s22] =	dma.local [hbm:s5], s20  }
0x9e: {  	_ =	swait.ge [sflag:s22], s20  }
0x9f: {  	s4 =	ssub.s32 $0x0, s20;
	[sflag:s22] =	ssyncset.done $0x0  }
0xa0: {  	[sflag:s22] =	ssyncadd.s32 s4;
	_ =	sdelay $0x1  }
0xa1: {  	s23 =	simm.s32 $0x1B8B  }
0xa2: {  	_ =	swait.ge [sflag:s23], $0x1  }
0xa3: {  	[sflag:s23] =	ssyncset.done $0x0  }
0xa4: {  	s25 =	simm.s32 $0x1B8E;
	s24 =	sld [smem:$0x3FFE];
	[sflag:s23] =	ssyncadd.s32 $0xFFFFFFFF  }
0xa5: {  	s26 =	simm.s32 $execute0_lowered;
	[smem:$0x3FD2] =	sst s25  }
0xa6: {  	s5 =	sshll.u32 s26, $0x1;
	_ =	strace $0x80000046;
	[dreg:$0x1] =	wrdreg $0xFFFFFFFF  }
0xa7: {  	s28 =	simm.s32 $_size_execute0_lowered;
	s3 =	sadd.s32 s3, s5;
	[dreg:$0x0] =	wrdreg $0x0  }
0xa8: {  	s5 =	sshll.u32 s28, $0x1;
	[dreg:$0x2] =	wrdreg s3  }
0xa9: {  	[dreg:$0x3] =	wrdreg s5  }
0xaa: {  	[dreg:$0x4] =	wrdreg $0xC0  }
0xab: {  	_ =	task [dreg:s7], $0x5FFFF  }
0xac: {  	[dreg:$0x1] =	wrdreg $0xFFFFFFFF  }
0xad: {  	[dreg:$0x0] =	wrdreg $0x60  }
0xae: {  	[dreg:$0x2] =	wrdreg s24  }
0xaf: {  	[dreg:$0x3] =	wrdreg s2  }
0xb0: {  	[dreg:$0x4] =	wrdreg $0x9  }
0xb1: {  	_ =	task.clear_ibuf [dreg:s7], $0x5FFFF;
	_ =	strace $0x90000046  }
0xb2: {  	s29 =	simm.s32 $0x9;
	_ =	strace $0x80000048  }
0xb3: {  	_ =	swait.ge [sflag:s29], $0x1  }
0xb4: {  	[sflag:s29] =	ssyncadd.s32 $0xFFFFFFFF  }
0xb5: {  	_ =	strace $0x90000048  }
0xb6: {  	_ =	sfence  }
0xb7: {  	s30 =	sld [smem:$0x0];
	_ =	sdelay $0x2  }
0xb8: {  	s31 =	sshll.u32 s1, $0xD;
	s1 =	sshrl.u32 s1, $0x2  }
0xb9: {  	s3 =	sand.u32 $0x4000, s31;
	s1 =	sadd.s32 s1, s30  }
0xba: {  	s0 =	sor.u32 s3, s0;
	s1 =	sshll.u32 s1, $0x11  }
0xbb: {  	s0 =	sor.u32 s1, s0  }
0xbc: {  	s0 =	sadd.s32 $0x8F2B, s0  }
0xbd: {  	[sflag:s0] =	ssyncadd.remote.s32 $0x1  }
0xbe: {  	_ =	sfence.sel $0xFFFF  }
0xbf: {  	[dreg:$0x0] =	wrdreg $0xFFFFFFFF;
	(pc) =	sbr.abs _section_cstart, $3  }
0xc0: {  	[dreg:$0x1] =	wrdreg $0xFFFFFFFF  }
0xc1: {  	_ =	task.clear_ibuf [dreg:s7], $0x2FFFF;
	_ =	strace $0x9FFFFFFF  }
0xc2: {  	(tm) =	ssettm $0x7FFFFFFF  }
0xc3: {  	_ =	shalt  }
tec
execute0_lowered:
.L_overlay_start_1:
0x0: {  	(tag) =	ssettag $0x1  }
0x1: {  	s1 =	srdreg.scid;
	s6 =	rddreg [dreg:$0x0]  }
0x2: {  	s0 =	stileid.u32;
	s2 =	rddreg [dreg:$0x1];
	s3 =	simm.s32 $0x0  }
0x3: {  	s10 =	simm.s32 $0x6400;
	s11 =	simm.s32 $0x60;
	s12 =	simm.s32 $0x9600  }
0x4: {  	s13 =	simm.s32 $0x68;
	s14 =	simm.s32 $0xAE00;
	s15 =	simm.s32 $0xC8  }
0x5: {  	s16 =	simm.s32 $0xC800;
	s17 =	simm.s32 $0x128;
	s18 =	simm.s32 $0xE000  }
0x6: {  	s19 =	simm.s32 $0x1;
	s20 =	simm.s32 $0xFA00;
	s21 =	simm.s32 $0x2  }
0x7: {  	s22 =	simm.s32 $0x12C00;
	s23 =	simm.s32 $0x3;
	s5 =	sand.u32 $0x1, s1  }
0x8: {  	s24 =	simm.s32 $0x4;
	s4 =	sshll.u32 s0, $0x8;
	s7 =	sshll.u32 s5, $0x7  }
.Ltmp0:
0x9: {  	s25 =	simm.s32 $0x0;
	s4 =	sor.u32 s7, s4;
	(pc) =	sbr.rel .LBB2_1-.Ltmp0, $4  }
0xa: {  	[smem:$0x7FF] =	sst s3;
	s8 =	ssub.s32 $0x2, s5;
	s7 =	smul.u32 $0x19, s4  }
0xb: {  	_ =	strace $0x80000047;
	s5 =	sadd.s32 $0xF43000, s6;
	s9 =	sshrl.u32 s8, $0x1  }
0xc: {  	s8 =	ssub.s32 s8, s9;
	s9 =	simm.s32 $0x5;
	s7 =	sadd.s32 s7, s6  }
0xd: {  	s8 =	smax.u32 s8, $0x1;
	s6 =	sadd.s32 $0x19C00, s6;
	s7 =	sadd.s32 $0xC00, s7  }
.LBB2_8:
0xe: {  	s25 =	sadd.s32 $0x1, s25  }
0xf: {  	_ =	swait.ge [sflag:s23], $0x3200;
	p0 =	sne.s32 s25, s8  }
.Ltmp1:
0x10: {  	[sflag:s23] =	ssyncset.done $0x0;
	(pc) =	sbr.rel @!p0 .LBB2_9-.Ltmp1, $4  }
0x11: {  	[sflag:s23] =	ssyncadd.s32 $0xFFFFCE00  }
0x12: {  	_ =	swait.ge [sflag:s24], $0x3200  }
0x13: {  	[sflag:s24] =	ssyncset.done $0x0  }
0x14: {  	[sflag:s24] =	ssyncadd.s32 $0xFFFFCE00  }
.LBB2_1:
0x15: {  	[tilespmem:s3], [sflag:$0x5] =	stream.linear.gather [hbm4b:s7+s3], $0x6400, $0x38;
	[tilespmem:$0x15E00] =	vst v63  }
0x16: {  	_ =	swait.ge [sflag:s9], $0x6400  }
0x17: {  	[sflag:s9] =	ssyncset.done $0x0  }
0x18: {  	[sflag:s9] =	ssyncadd.s32 $0xFFFF9C00  }
0x19: {  	[tilespmem:s10], [sflag:$0x5] =	stream.linear.gather [hbm4b:s6+s3], $0x3200, $0x38;
	[tilespmem:$0x15E00] =	vst v63  }
0x1a: {  	_ =	swait.ge [sflag:s9], $0x3200  }
0x1b: {  	[sflag:s9] =	ssyncset.done $0x0  }
0x1c: {  	[sflag:s9] =	ssyncadd.s32 $0xFFFFCE00  }
0x1d: {  	[tilespmem:s12], [sflag:$0x1] =	stream.indirect.gather [hbm4b:s5+s11], $0x40, s3, s11, $0xb8;
	[tilespmem:$0x15E00] =	vst v63  }
0x1e: {  	_ = 	snop  }
0x1f: {  	[tilespmem:s14], [sflag:$0x1] =	stream.indirect.gather [hbm4b:s5+s13], $0x40, s11, s13, $0xb8;
	[tilespmem:$0x15E00] =	vst v63  }
0x20: {  	_ = 	snop  }
0x21: {  	[tilespmem:s16], [sflag:$0x2] =	stream.indirect.gather [hbm4b:s5+s11], $0x40, s15, s11, $0xb8;
	[tilespmem:$0x15E00] =	vst v63  }
0x22: {  	s26 =	simm.s32 $0x0  }
0x23: {  	[tilespmem:s18], [sflag:$0x2] =	stream.indirect.gather [hbm4b:s5+s13], $0x40, s17, s13, $0xb8;
	[tilespmem:$0x15E00] =	vst v63  }
.LBB2_2:
0x24: {  	_ =	swait.ge [sflag:s19], $0x1800  }
0x25: {  	[sflag:s19] =	ssyncset.done $0x0  }
0x26: {  	[sflag:s19] =	ssyncadd.s32 $0xFFFFE800  }
0x27: {  	_ =	swait.ge [sflag:s19], $0x1A00  }
0x28: {  	p0 =	seq.s32 s26, $0x0;
	[sflag:s19] =	ssyncset.done $0x0  }
0x29: {  	s28 =	simm.s32 @!p0 $0x3;
	[sflag:s19] =	ssyncadd.s32 $0xFFFFE600  }
0x2a: {  	_ =	swait.ge @!p0 [sflag:s28], $0x3200  }
0x2b: {  	[sflag:s28] =	ssyncset.done @!p0 $0x0  }
0x2c: {  	s29 =	simm.s32 $0x0;
	[sflag:s28] =	ssyncadd.s32 @!p0 $0xFFFFCE00  }
0x2d: {  	v0 =	vld [tilespmem:s29+$0x96F0]  }
0x2e: {  	v1 =	vld [tilespmem:s29+$0x64F0]  }
0x2f: {  	v2 =	vld [tilespmem:s29+$0x9600]  }
0x30: {  	v3 =	vld [tilespmem:s29+$0x6400]  }
0x31: {  	v4 =	vld [tilespmem:s29+$0x9610]  }
0x32: {  	v5 =	vld [tilespmem:s29+$0x6410]  }
0x33: {  	v6 =	vld [tilespmem:s29+$0x9620]  }
0x34: {  	v7 =	vld [tilespmem:s29+$0x9630]  }
0x35: {  	v0 =	vadd.f32 v1, v0;
	v1 =	vld [tilespmem:s29+$0x6420]  }
0x36: {  	v2 =	vadd.f32 v3, v2;
	v3 =	vld [tilespmem:s29+$0x9640]  }
0x37: {  	[tilespmem:s29+$0xFAF0] =	vst v0;
	v0 =	vld [tilespmem:s29+$0x6430]  }
0x38: {  	[tilespmem:s29+$0xFA00] =	vst v2;
	v2 =	vadd.f32 v5, v4;
	v4 =	vld [tilespmem:s29+$0x6440]  }
0x39: {  	v5 =	vld [tilespmem:s29+$0x6450]  }
0x3a: {  	[tilespmem:s29+$0xFA10] =	vst v2;
	v2 =	vld [tilespmem:s29+$0x9650];
	v1 =	vadd.f32 v1, v6  }
0x3b: {  	v6 =	vld [tilespmem:s29+$0x6460]  }
0x3c: {  	[tilespmem:s29+$0xFA20] =	vst v1;
	v0 =	vadd.f32 v0, v7;
	v1 =	vld [tilespmem:s29+$0x9660]  }
0x3d: {  	v7 =	vld [tilespmem:s29+$0x64B0]  }
0x3e: {  	[tilespmem:s29+$0xFA30] =	vst v0;
	v0 =	vadd.f32 v4, v3;
	v3 =	vld [tilespmem:s29+$0x9670]  }
0x3f: {  	v4 =	vld [tilespmem:s29+$0x6470]  }
0x40: {  	[tilespmem:s29+$0xFA40] =	vst v0;
	v0 =	vadd.f32 v5, v2;
	v2 =	vld [tilespmem:s29+$0x9680]  }
0x41: {  	v5 =	vld [tilespmem:s29+$0x6480]  }
0x42: {  	[tilespmem:s29+$0xFA50] =	vst v0;
	v0 =	vadd.f32 v6, v1;
	v1 =	vld [tilespmem:s29+$0x9690]  }
0x43: {  	v6 =	vld [tilespmem:s29+$0x6490]  }
0x44: {  	[tilespmem:s29+$0xFA60] =	vst v0;
	v0 =	vadd.f32 v4, v3;
	v3 =	vld [tilespmem:s29+$0x96A0]  }
0x45: {  	v4 =	vld [tilespmem:s29+$0x64A0]  }
0x46: {  	[tilespmem:s29+$0xFA70] =	vst v0;
	v0 =	vadd.f32 v5, v2;
	v5 =	vld [tilespmem:s29+$0x96B0]  }
0x47: {  	v8 =	vld [tilespmem:s29+$0x64C0]  }
0x48: {  	[tilespmem:s29+$0xFA80] =	vst v0;
	v0 =	vadd.f32 v6, v1;
	v6 =	vld [tilespmem:s29+$0x96C0]  }
0x49: {  	v2 =	vld [tilespmem:s29+$0x96D0]  }
0x4a: {  	[tilespmem:s29+$0xFA90] =	vst v0;
	v0 =	vadd.f32 v4, v3;
	v3 =	vld [tilespmem:s29+$0x64D0]  }
0x4b: {  	v4 =	vld [tilespmem:s29+$0x64E0];
	v5 =	vadd.f32 v7, v5  }
0x4c: {  	s30 =	simm.s32 $0x100;
	[tilespmem:s29+$0xFAA0] =	vst v0;
	v0 =	vld [tilespmem:s29+$0x96E0]  }
0x4d: {  	s31 =	simm.s32 $0x800;
	s28 =	sshll.u32 s26, $0x1;
	v1 =	vld [tilespmem:s30+$0x96F0];
	[tilespmem:s29+$0xFAB0] =	vst v5;
	v5 =	vadd.f32 v8, v6  }
.LBB2_3:
0x4e: {  	p1 =	sne.s32 s31, $0xC400;
	v6 =	vld [tilespmem:s30+$0x64F0]  }
0x4f: {  	v7 =	vld [tilespmem:s30+$0x9600];
	[tilespmem:s29+$0xFAC0] =	vst v5;
	v2 =	vadd.f32 v3, v2  }
0x50: {  	v3 =	vld [tilespmem:s30+$0x6400]  }
0x51: {  	v5 =	vld [tilespmem:s30+$0x9610];
	[tilespmem:s29+$0xFAD0] =	vst v2;
	v0 =	vadd.f32 v4, v0  }
0x52: {  	v2 =	vld [tilespmem:s30+$0x6410]  }
0x53: {  	v4 =	vld [tilespmem:s30+$0x9620];
	v1 =	vadd.f32 v6, v1;
	[tilespmem:s29+$0xFAE0] =	vst v0;
	s29 =	smov.u32 s30  }
0x54: {  	v0 =	vld [tilespmem:s29+$0x6420]  }
0x55: {  	v3 =	vadd.f32 v3, v7;
	v6 =	vld [tilespmem:s29+$0x9630];
	[tilespmem:s29+$0xFAF0] =	vst v1  }
0x56: {  	v1 =	vld [tilespmem:s29+$0x6430]  }
0x57: {  	[tilespmem:s29+$0xFA00] =	vst v3;
	v2 =	vadd.f32 v2, v5;
	v3 =	vld [tilespmem:s29+$0x9640]  }
0x58: {  	v5 =	vld [tilespmem:s29+$0x6440]  }
0x59: {  	[tilespmem:s29+$0xFA10] =	vst v2;
	v0 =	vadd.f32 v0, v4;
	v2 =	vld [tilespmem:s29+$0x9650]  }
0x5a: {  	v4 =	vld [tilespmem:s29+$0x6450]  }
0x5b: {  	[tilespmem:s29+$0xFA20] =	vst v0;
	v0 =	vadd.f32 v1, v6;
	v1 =	vld [tilespmem:s29+$0x9660]  }
0x5c: {  	v6 =	vld [tilespmem:s29+$0x6460]  }
0x5d: {  	[tilespmem:s29+$0xFA30] =	vst v0;
	v0 =	vadd.f32 v5, v3;
	v3 =	vld [tilespmem:s29+$0x9670]  }
0x5e: {  	v5 =	vld [tilespmem:s29+$0x6470]  }
0x5f: {  	[tilespmem:s29+$0xFA40] =	vst v0;
	v0 =	vadd.f32 v4, v2;
	v2 =	vld [tilespmem:s29+$0x9680]  }
0x60: {  	v4 =	vld [tilespmem:s29+$0x6480]  }
0x61: {  	[tilespmem:s29+$0xFA50] =	vst v0;
	v0 =	vadd.f32 v6, v1;
	v1 =	vld [tilespmem:s29+$0x9690]  }
0x62: {  	v6 =	vld [tilespmem:s29+$0x6490]  }
0x63: {  	[tilespmem:s29+$0xFA60] =	vst v0;
	v0 =	vadd.f32 v5, v3;
	v3 =	vld [tilespmem:s29+$0x96A0]  }
0x64: {  	v5 =	vld [tilespmem:s29+$0x64A0]  }
0x65: {  	[tilespmem:s29+$0xFA70] =	vst v0;
	v0 =	vadd.f32 v4, v2;
	v4 =	vld [tilespmem:s29+$0x96B0]  }
0x66: {  	v7 =	vld [tilespmem:s29+$0x64B0]  }
0x67: {  	[tilespmem:s29+$0xFA80] =	vst v0;
	v0 =	vadd.f32 v6, v1;
	v6 =	vld [tilespmem:s29+$0x96C0]  }
0x68: {  	v8 =	vld [tilespmem:s29+$0x64C0]  }
.Ltmp2:
0x69: {  	[tilespmem:s29+$0xFA90] =	vst v0;
	v0 =	vadd.f32 v5, v3;
	v2 =	vld [tilespmem:s29+$0x96D0];
	(pc) =	sbr.rel @p1 .LBB2_3-.Ltmp2, $4  }
0x6a: {  	v3 =	vld [tilespmem:s29+$0x64D0]  }
0x6b: {  	[tilespmem:s29+$0xFAA0] =	vst v0;
	v5 =	vadd.f32 v7, v4;
	v0 =	vld [tilespmem:s29+$0x96E0]  }
0x6c: {  	s30 =	sshra.s32 s31, $0x2;
	v4 =	vld [tilespmem:s29+$0x64E0]  }
0x6d: {  	s31 =	sadd.s32 $0x400, s31;
	v1 =	vld [tilespmem:s30+$0x96F0];
	[tilespmem:s29+$0xFAB0] =	vst v5;
	v5 =	vadd.f32 v8, v6  }
0x6e: {  	v6 =	vld [tilespmem:s30+$0x64F0]  }
0x6f: {  	v7 =	vld [tilespmem:s30+$0x9600];
	[tilespmem:s29+$0xFAC0] =	vst v5;
	v2 =	vadd.f32 v3, v2  }
0x70: {  	v3 =	vld [tilespmem:s30+$0x6400]  }
0x71: {  	v5 =	vld [tilespmem:s30+$0x9610];
	[tilespmem:s29+$0xFAD0] =	vst v2;
	v0 =	vadd.f32 v4, v0  }
0x72: {  	v2 =	vld [tilespmem:s30+$0x6410]  }
0x73: {  	v4 =	vld [tilespmem:s30+$0x9620];
	[tilespmem:s29+$0xFAE0] =	vst v0  }
0x74: {  	v0 =	vadd.f32 v6, v1;
	v1 =	vld [tilespmem:s30+$0x6420]  }
0x75: {  	v6 =	vld [tilespmem:s30+$0x9630]  }
0x76: {  	v3 =	vadd.f32 v3, v7;
	[tilespmem:s30+$0xFAF0] =	vst v0;
	v0 =	vld [tilespmem:s30+$0x6430]  }
0x77: {  	v7 =	vld [tilespmem:s30+$0x64E0]  }
0x78: {  	[tilespmem:s30+$0xFA00] =	vst v3;
	v2 =	vadd.f32 v2, v5;
	v3 =	vld [tilespmem:s30+$0x9640]  }
0x79: {  	v5 =	vld [tilespmem:s30+$0x6440]  }
0x7a: {  	[tilespmem:s30+$0xFA10] =	vst v2;
	v2 =	vld [tilespmem:s30+$0x9650]  }
0x7b: {  	v1 =	vadd.f32 v1, v4;
	v4 =	vld [tilespmem:s30+$0x6450]  }
0x7c: {  	v0 =	vadd.f32 v0, v6;
	v6 =	vld [tilespmem:s30+$0x6460]  }
0x7d: {  	[tilespmem:s30+$0xFA20] =	vst v1;
	v1 =	vld [tilespmem:s30+$0x9660]  }
0x7e: {  	[tilespmem:s30+$0xFA30] =	vst v0;
	v0 =	vadd.f32 v5, v3;
	v3 =	vld [tilespmem:s30+$0x9670]  }
0x7f: {  	v5 =	vld [tilespmem:s30+$0x6470]  }
0x80: {  	[tilespmem:s30+$0xFA40] =	vst v0;
	v0 =	vadd.f32 v4, v2;
	v2 =	vld [tilespmem:s30+$0x9680]  }
0x81: {  	v4 =	vld [tilespmem:s30+$0x6480]  }
0x82: {  	[tilespmem:s30+$0xFA50] =	vst v0;
	v0 =	vadd.f32 v6, v1;
	v1 =	vld [tilespmem:s30+$0x9690]  }
0x83: {  	v6 =	vld [tilespmem:s30+$0x6490]  }
0x84: {  	[tilespmem:s30+$0xFA60] =	vst v0;
	v0 =	vadd.f32 v5, v3;
	v3 =	vld [tilespmem:s30+$0x96A0]  }
0x85: {  	v5 =	vld [tilespmem:s30+$0x64A0]  }
0x86: {  	[tilespmem:s30+$0xFA70] =	vst v0;
	v0 =	vadd.f32 v4, v2;
	v2 =	vld [tilespmem:s30+$0x96B0]  }
0x87: {  	v4 =	vld [tilespmem:s30+$0x64B0]  }
0x88: {  	[tilespmem:s30+$0xFA80] =	vst v0;
	v0 =	vadd.f32 v6, v1;
	v1 =	vld [tilespmem:s30+$0x96C0]  }
0x89: {  	v6 =	vld [tilespmem:s30+$0x64C0]  }
0x8a: {  	[tilespmem:s30+$0xFA90] =	vst v0;
	v0 =	vadd.f32 v5, v3;
	v3 =	vld [tilespmem:s30+$0x96D0]  }
0x8b: {  	v5 =	vld [tilespmem:s30+$0x64D0]  }
0x8c: {  	[tilespmem:s30+$0xFAA0] =	vst v0;
	v0 =	vld [tilespmem:s30+$0x96E0];
	_ =	sdelay $0x1  }
0x8d: {  	v2 =	vadd.f32 v4, v2  }
0x8e: {  	v1 =	vadd.f32 v6, v1  }
0x8f: {  	s29 =	sadd.s32 s4, s28;
	[tilespmem:s30+$0xFAB0] =	vst v2;
	v2 =	vadd.f32 v5, v3  }
0x90: {  	s29 =	smul.u32 $0x640, s29;
	[tilespmem:s30+$0xFAC0] =	vst v1;
	v0 =	vadd.f32 v7, v0  }
0x91: {  	p1 =	seq.s32 s26, $0x3F;
	[tilespmem:s30+$0xFAD0] =	vst v2  }
0x92: {  	s29 =	sadd.s32 s2, s29;
	[tilespmem:s30+$0xFAE0] =	vst v0;
	s30 =	smul.u32 @!p1 $0x640, s26  }
0x93: {  	[hbm4b:s29+s3] =	stream.linear.scatter [tilespmem:s20], [sflag:$0x3], $0x3200, $0x38;
	[tilespmem:$0x15E00] =	vst v63  }
0x94: {  	s29 =	sshra.s32 @!p1 s30, $0x2  }
0x95: {  	s31 =	simm.s32 @!p1 $0x60;
	s1 =	simm.s32 @!p1 $0x9600;
	s30 =	sadd.s32 @!p1 $0x190, s29  }
0x96: {  	[tilespmem:s1], [sflag:$0x1] =	stream.indirect.gather @!p1 [hbm4b:s5+s31], $0x40, s30, s31, $0xb8;
	[tilespmem:$0x15E00] =	vst v63  }
0x97: {  	s1 =	sadd.s32 @!p1 $0x1F0, s29;
	s29 =	simm.s32 @!p1 $0x68;
	s30 =	simm.s32 @!p1 $0xAE00  }
0x98: {  	[tilespmem:s30], [sflag:$0x1] =	stream.indirect.gather @!p1 [hbm4b:s5+s29], $0x40, s1, s29, $0xb8;
	[tilespmem:$0x15E00] =	vst v63  }
0x99: {  	_ =	swait.ge [sflag:s21], $0x1800  }
0x9a: {  	[sflag:s21] =	ssyncset.done $0x0  }
0x9b: {  	[sflag:s21] =	ssyncadd.s32 $0xFFFFE800  }
0x9c: {  	_ =	swait.ge [sflag:s21], $0x1A00  }
0x9d: {  	[sflag:s21] =	ssyncset.done $0x0  }
0x9e: {  	s1 =	simm.s32 @!p0 $0x4;
	[sflag:s21] =	ssyncadd.s32 $0xFFFFE600  }
0x9f: {  	_ =	swait.ge @!p0 [sflag:s1], $0x3200  }
0xa0: {  	[sflag:s1] =	ssyncset.done @!p0 $0x0  }
0xa1: {  	s29 =	simm.s32 $0x0;
	[sflag:s1] =	ssyncadd.s32 @!p0 $0xFFFFCE00  }
0xa2: {  	v0 =	vld [tilespmem:s29+$0xC8F0]  }
0xa3: {  	v1 =	vld [tilespmem:s29+$0x64F0]  }
0xa4: {  	v2 =	vld [tilespmem:s29+$0xC800]  }
0xa5: {  	v3 =	vld [tilespmem:s29+$0x6400]  }
0xa6: {  	v4 =	vld [tilespmem:s29+$0xC810]  }
0xa7: {  	v5 =	vld [tilespmem:s29+$0x6410]  }
0xa8: {  	v6 =	vld [tilespmem:s29+$0xC820]  }
0xa9: {  	v7 =	vld [tilespmem:s29+$0xC830]  }
0xaa: {  	v0 =	vadd.f32 v1, v0;
	v1 =	vld [tilespmem:s29+$0x6420]  }
0xab: {  	v2 =	vadd.f32 v3, v2;
	v3 =	vld [tilespmem:s29+$0xC840]  }
0xac: {  	[tilespmem:s29+$0x12CF0] =	vst v0;
	v0 =	vld [tilespmem:s29+$0x6430]  }
0xad: {  	[tilespmem:s29+$0x12C00] =	vst v2;
	v2 =	vadd.f32 v5, v4;
	v4 =	vld [tilespmem:s29+$0x6440]  }
0xae: {  	v5 =	vld [tilespmem:s29+$0x6450]  }
0xaf: {  	[tilespmem:s29+$0x12C10] =	vst v2;
	v2 =	vld [tilespmem:s29+$0xC850];
	v1 =	vadd.f32 v1, v6  }
0xb0: {  	v6 =	vld [tilespmem:s29+$0x6460]  }
0xb1: {  	[tilespmem:s29+$0x12C20] =	vst v1;
	v0 =	vadd.f32 v0, v7;
	v1 =	vld [tilespmem:s29+$0xC860]  }
0xb2: {  	v7 =	vld [tilespmem:s29+$0x64B0]  }
0xb3: {  	[tilespmem:s29+$0x12C30] =	vst v0;
	v0 =	vadd.f32 v4, v3;
	v3 =	vld [tilespmem:s29+$0xC870]  }
0xb4: {  	v4 =	vld [tilespmem:s29+$0x6470]  }
0xb5: {  	[tilespmem:s29+$0x12C40] =	vst v0;
	v0 =	vadd.f32 v5, v2;
	v2 =	vld [tilespmem:s29+$0xC880]  }
0xb6: {  	v5 =	vld [tilespmem:s29+$0x6480]  }
0xb7: {  	[tilespmem:s29+$0x12C50] =	vst v0;
	v0 =	vadd.f32 v6, v1;
	v1 =	vld [tilespmem:s29+$0xC890]  }
0xb8: {  	v6 =	vld [tilespmem:s29+$0x6490]  }
0xb9: {  	[tilespmem:s29+$0x12C60] =	vst v0;
	v0 =	vadd.f32 v4, v3;
	v3 =	vld [tilespmem:s29+$0xC8A0]  }
0xba: {  	v4 =	vld [tilespmem:s29+$0x64A0]  }
0xbb: {  	[tilespmem:s29+$0x12C70] =	vst v0;
	v0 =	vadd.f32 v5, v2;
	v5 =	vld [tilespmem:s29+$0xC8B0]  }
0xbc: {  	v8 =	vld [tilespmem:s29+$0x64C0]  }
0xbd: {  	[tilespmem:s29+$0x12C80] =	vst v0;
	v0 =	vadd.f32 v6, v1;
	v6 =	vld [tilespmem:s29+$0xC8C0]  }
0xbe: {  	v2 =	vld [tilespmem:s29+$0xC8D0]  }
0xbf: {  	[tilespmem:s29+$0x12C90] =	vst v0;
	v0 =	vadd.f32 v4, v3;
	v3 =	vld [tilespmem:s29+$0x64D0]  }
0xc0: {  	v4 =	vld [tilespmem:s29+$0x64E0];
	v5 =	vadd.f32 v7, v5  }
0xc1: {  	s30 =	simm.s32 $0x100;
	[tilespmem:s29+$0x12CA0] =	vst v0;
	v0 =	vld [tilespmem:s29+$0xC8E0]  }
0xc2: {  	s28 =	sor.u32 $0x1, s28;
	s31 =	simm.s32 $0x800;
	v1 =	vld [tilespmem:s30+$0xC8F0];
	[tilespmem:s29+$0x12CB0] =	vst v5;
	v5 =	vadd.f32 v8, v6  }
.LBB2_5:
0xc3: {  	p0 =	sne.s32 s31, $0xC400;
	v6 =	vld [tilespmem:s30+$0x64F0]  }
0xc4: {  	v7 =	vld [tilespmem:s30+$0xC800];
	[tilespmem:s29+$0x12CC0] =	vst v5;
	v2 =	vadd.f32 v3, v2  }
0xc5: {  	v3 =	vld [tilespmem:s30+$0x6400]  }
0xc6: {  	v5 =	vld [tilespmem:s30+$0xC810];
	[tilespmem:s29+$0x12CD0] =	vst v2;
	v0 =	vadd.f32 v4, v0  }
0xc7: {  	v2 =	vld [tilespmem:s30+$0x6410]  }
0xc8: {  	v4 =	vld [tilespmem:s30+$0xC820];
	v1 =	vadd.f32 v6, v1;
	[tilespmem:s29+$0x12CE0] =	vst v0;
	s29 =	smov.u32 s30  }
0xc9: {  	v0 =	vld [tilespmem:s29+$0x6420]  }
0xca: {  	v3 =	vadd.f32 v3, v7;
	v6 =	vld [tilespmem:s29+$0xC830];
	[tilespmem:s29+$0x12CF0] =	vst v1  }
0xcb: {  	v1 =	vld [tilespmem:s29+$0x6430]  }
0xcc: {  	[tilespmem:s29+$0x12C00] =	vst v3;
	v2 =	vadd.f32 v2, v5;
	v3 =	vld [tilespmem:s29+$0xC840]  }
0xcd: {  	v5 =	vld [tilespmem:s29+$0x6440]  }
0xce: {  	[tilespmem:s29+$0x12C10] =	vst v2;
	v0 =	vadd.f32 v0, v4;
	v2 =	vld [tilespmem:s29+$0xC850]  }
0xcf: {  	v4 =	vld [tilespmem:s29+$0x6450]  }
0xd0: {  	[tilespmem:s29+$0x12C20] =	vst v0;
	v0 =	vadd.f32 v1, v6;
	v1 =	vld [tilespmem:s29+$0xC860]  }
0xd1: {  	v6 =	vld [tilespmem:s29+$0x6460]  }
0xd2: {  	[tilespmem:s29+$0x12C30] =	vst v0;
	v0 =	vadd.f32 v5, v3;
	v3 =	vld [tilespmem:s29+$0xC870]  }
0xd3: {  	v5 =	vld [tilespmem:s29+$0x6470]  }
0xd4: {  	[tilespmem:s29+$0x12C40] =	vst v0;
	v0 =	vadd.f32 v4, v2;
	v2 =	vld [tilespmem:s29+$0xC880]  }
0xd5: {  	v4 =	vld [tilespmem:s29+$0x6480]  }
0xd6: {  	[tilespmem:s29+$0x12C50] =	vst v0;
	v0 =	vadd.f32 v6, v1;
	v1 =	vld [tilespmem:s29+$0xC890]  }
0xd7: {  	v6 =	vld [tilespmem:s29+$0x6490]  }
0xd8: {  	[tilespmem:s29+$0x12C60] =	vst v0;
	v0 =	vadd.f32 v5, v3;
	v3 =	vld [tilespmem:s29+$0xC8A0]  }
0xd9: {  	v5 =	vld [tilespmem:s29+$0x64A0]  }
0xda: {  	[tilespmem:s29+$0x12C70] =	vst v0;
	v0 =	vadd.f32 v4, v2;
	v4 =	vld [tilespmem:s29+$0xC8B0]  }
0xdb: {  	v7 =	vld [tilespmem:s29+$0x64B0]  }
0xdc: {  	[tilespmem:s29+$0x12C80] =	vst v0;
	v0 =	vadd.f32 v6, v1;
	v6 =	vld [tilespmem:s29+$0xC8C0]  }
0xdd: {  	v8 =	vld [tilespmem:s29+$0x64C0]  }
.Ltmp3:
0xde: {  	[tilespmem:s29+$0x12C90] =	vst v0;
	v0 =	vadd.f32 v5, v3;
	v2 =	vld [tilespmem:s29+$0xC8D0];
	(pc) =	sbr.rel @p0 .LBB2_5-.Ltmp3, $4  }
0xdf: {  	v3 =	vld [tilespmem:s29+$0x64D0]  }
0xe0: {  	[tilespmem:s29+$0x12CA0] =	vst v0;
	v5 =	vadd.f32 v7, v4;
	v0 =	vld [tilespmem:s29+$0xC8E0]  }
0xe1: {  	s30 =	sshra.s32 s31, $0x2;
	v4 =	vld [tilespmem:s29+$0x64E0]  }
0xe2: {  	s31 =	sadd.s32 $0x400, s31;
	v1 =	vld [tilespmem:s30+$0xC8F0];
	[tilespmem:s29+$0x12CB0] =	vst v5;
	v5 =	vadd.f32 v8, v6  }
0xe3: {  	v6 =	vld [tilespmem:s30+$0x64F0]  }
0xe4: {  	v7 =	vld [tilespmem:s30+$0xC800];
	[tilespmem:s29+$0x12CC0] =	vst v5;
	v2 =	vadd.f32 v3, v2  }
0xe5: {  	v28 =	vld [tilespmem:s30+$0x6400]  }
0xe6: {  	v5 =	vld [tilespmem:s30+$0xC810];
	[tilespmem:s29+$0x12CD0] =	vst v2;
	v0 =	vadd.f32 v4, v0  }
0xe7: {  	v2 =	vld [tilespmem:s30+$0x6410]  }
0xe8: {  	v29 =	vld [tilespmem:s30+$0xC820];
	[tilespmem:s29+$0x12CE0] =	vst v0  }
0xe9: {  	v31 =	vld [tilespmem:s30+$0x6420]  }
0xea: {  	v32 =	vld [tilespmem:s30+$0xC830]  }
0xeb: {  	v33 =	vld [tilespmem:s30+$0x6430]  }
0xec: {  	v34 =	vld [tilespmem:s30+$0xC840]  }
0xed: {  	v35 =	vld [tilespmem:s30+$0x6440]  }
0xee: {  	v36 =	vld [tilespmem:s30+$0xC850]  }
0xef: {  	v37 =	vld [tilespmem:s30+$0x6450]  }
0xf0: {  	v38 =	vld [tilespmem:s30+$0xC860]  }
0xf1: {  	v39 =	vld [tilespmem:s30+$0x6460]  }
0xf2: {  	v41 =	vld [tilespmem:s30+$0xC870]  }
0xf3: {  	v42 =	vld [tilespmem:s30+$0x6470]  }
0xf4: {  	v44 =	vld [tilespmem:s30+$0xC880]  }
0xf5: {  	v45 =	vld [tilespmem:s30+$0x6480]  }
0xf6: {  	v47 =	vld [tilespmem:s30+$0xC890]  }
0xf7: {  	v30 =	vadd.f32 v6, v1;
	v48 =	vld [tilespmem:s30+$0x6490]  }
0xf8: {  	v50 =	vld [tilespmem:s30+$0xC8A0];
	v3 =	vadd.f32 v28, v7  }
0xf9: {  	v51 =	vld [tilespmem:s30+$0x64A0];
	[tilespmem:s30+$0x12CF0] =	vst v30;
	v2 =	vadd.f32 v2, v5  }
0xfa: {  	v53 =	vld [tilespmem:s30+$0xC8B0];
	[tilespmem:s30+$0x12C00] =	vst v3;
	v1 =	vadd.f32 v31, v29  }
0xfb: {  	v54 =	vld [tilespmem:s30+$0x64B0];
	[tilespmem:s30+$0x12C10] =	vst v2;
	v0 =	vadd.f32 v33, v32  }
0xfc: {  	v56 =	vld [tilespmem:s30+$0xC8C0];
	v40 =	vadd.f32 v35, v34;
	[tilespmem:s30+$0x12C20] =	vst v1  }
0xfd: {  	v57 =	vld [tilespmem:s30+$0x64C0];
	v43 =	vadd.f32 v37, v36;
	[tilespmem:s30+$0x12C30] =	vst v0  }
0xfe: {  	v59 =	vld [tilespmem:s30+$0xC8D0];
	v46 =	vadd.f32 v39, v38;
	[tilespmem:s30+$0x12C40] =	vst v40  }
0xff: {  	v60 =	vld [tilespmem:s30+$0x64D0];
	v49 =	vadd.f32 v42, v41;
	[tilespmem:s30+$0x12C50] =	vst v43  }
0x100: {  	v61 =	vld [tilespmem:s30+$0xC8E0];
	v52 =	vadd.f32 v45, v44;
	[tilespmem:s30+$0x12C60] =	vst v46  }
0x101: {  	v62 =	vld [tilespmem:s30+$0x64E0];
	v55 =	vadd.f32 v48, v47;
	[tilespmem:s30+$0x12C70] =	vst v49  }
0x102: {  	v58 =	vadd.f32 v51, v50;
	[tilespmem:s30+$0x12C80] =	vst v52  }
0x103: {  	v2 =	vadd.f32 v54, v53;
	[tilespmem:s30+$0x12C90] =	vst v55  }
0x104: {  	v63 =	vadd.f32 v60, v59;
	[tilespmem:s30+$0x12CA0] =	vst v58  }
.Ltmp4:
0x105: {  	s1 =	sadd.s32 s4, s28;
	v1 =	vadd.f32 v57, v56;
	[tilespmem:s30+$0x12CB0] =	vst v2;
	(pc) =	sbr.rel @p1 .LBB2_8-.Ltmp4, $4  }
0x106: {  	s1 =	smul.u32 $0x640, s1;
	v0 =	vadd.f32 v62, v61;
	[tilespmem:s30+$0x12CD0] =	vst v63  }
0x107: {  	[tilespmem:s30+$0x12CC0] =	vst v1  }
0x108: {  	s1 =	sadd.s32 s2, s1;
	[tilespmem:s30+$0x12CE0] =	vst v0  }
0x109: {  	[hbm4b:s1+s3] =	stream.linear.scatter [tilespmem:s22], [sflag:$0x4], $0x3200, $0x38;
	[tilespmem:$0x15E00] =	vst v63  }
0x10a: {  	s1 =	smul.u32 $0x640, s26;
	_ =	sdelay $0x1  }
.Ltmp5:
0x10b: {  	s1 =	sshra.s32 s1, $0x2;
	(pc) =	sbr.rel .LBB2_2-.Ltmp5, $4  }
0x10c: {  	s28 =	sadd.s32 $0x258, s1  }
0x10d: {  	[tilespmem:s16], [sflag:$0x2] =	stream.indirect.gather [hbm4b:s5+s11], $0x40, s28, s11, $0xb8;
	[tilespmem:$0x15E00] =	vst v63  }
0x10e: {  	s26 =	sadd.s32 $0x1, s26;
	s1 =	sadd.s32 $0x2B8, s1  }
0x10f: {  	[tilespmem:s18], [sflag:$0x2] =	stream.indirect.gather [hbm4b:s5+s13], $0x40, s1, s13, $0xb8;
	[tilespmem:$0x15E00] =	vst v63  }
.LBB2_9:
0x110: {  	_ =	sfence.sel $0x180000  }
0x111: {  	[bflag:$0x0] =	sbarrier.arrive $0xFFFF  }
0x112: {  	_ =	strace $0x90000047  }
0x113: {  	[bflag:$0x2] =	sbarrier.arrive $0xFFFF  }
0x114: {  	p0 =	sne.s32 s0, $0x0;
	s0 =	rddreg [dreg:$0x2]  }
0x115: {  	s0 =	sadd.s32 @!p0 $0x100000, s0  }
0x116: {  	[sflag:s0] =	ssyncadd.tile.s32 @!p0 $0x1;
	_ =	shalt  }
.Lfunc_end2:
_tile_overlayer_lowered:
.L_overlay_start_2:
0x117: {  	(tag) =	ssettag $0x2  }
0x118: {  	s0 =	rddreg [dreg:$0x0];
	s2 =	stileid.u32  }
0x119: {  	s1 =	rddreg [dreg:$0x1];
	p0 =	sne.s32 s2, $0x0  }
0x11a: {  	s3 =	rddreg [dreg:$0x2];
	[bflag:$0x3] =	sbarrier.arrive $0xFFFF;
	s2 =	simm.s32 @!p0 $0x1C05  }
0x11b: {  	[timem:s3], [sflag:s2] =	dma.local @!p0 [hbm:s0], s1  }
0x11c: {  	s0 =	simm.s32 @!p0 $0x5  }
0x11d: {  	_ =	swait.ge @!p0 [sflag:s0], s1  }
0x11e: {  	s1 =	ssub.s32 @!p0 $0x0, s1;
	[sflag:s0] =	ssyncset.done @!p0 $0x0  }
0x11f: {  	[sflag:s0] =	ssyncadd.s32 @!p0 s1  }
0x120: {  	[bflag:$0x3] =	sbarrier.arrive $0xFFFF  }
0x121: {  	_ =	shalt  }

// kernel: sparse-core-data-format-call.cloned.1.call-start
scs
called_computation_lowered:
.L_overlay_start_0:
0x0: {  	s2 =	sld [smem:$0x3FD9]  }
0x1: {  	s3 =	sld [smem:$0x3FFE];
	_ =	sdelay $0x1  }
0x2: {  	s1 =	srdreg.scid  }
0x3: {  	s0 =	sand.u32 $0x1, s1  }
0x4: {  	s18 =	sshll.u32 s0, $0xA;
	s2 =	sadd.s32 s3, s2  }
0x5: {  	s2 =	sadd.s32 s2, s18  }
0x6: {  	[smem:$0x3FC5] =	sst s2  }
0x7: {  	_ = 	snop  }
0x8: {  	s2 =	sld [smem:$0x3FD0];
	(tm) =	ssettm $0x1  }
0x9: {  	s19 =	sld [smem:$0x3FFB];
	_ =	sdelay $0x3  }
0xa: {  	_ =	strace s19  }
0xb: {  	s3 =	sld [smem:$0x3FFC];
	_ =	sdelay $0x3  }
0xc: {  	_ =	strace s3  }
0xd: {  	s3 =	sld [smem:$0x3FFD];
	_ =	sdelay $0x3  }
0xe: {  	_ =	strace s3  }
0xf: {  	_ =	strace $0x8FFFFFFF  }
0x10: {  	s20 =	sld [smem:$0x3FDB];
	_ =	sdelay $0x1  }
0x11: {  	s4 =	simm.s32 $_scs_section_size  }
0x12: {  	s5 =	simm.s32 $_size__tile_overlayer_lowered;
	s6 =	simm.s32 $_tile_overlayer_lowered  }
0x13: {  	s23 =	simm.s32 $0x1BFF;
	s22 =	sshll.u32 s6, $0x1;
	s3 =	sadd.s32 s4, s20  }
0x14: {  	s7 =	simm.s32 $0x0;
	s21 =	sshll.u32 s5, $0x1;
	s5 =	sadd.s32 s22, s3  }
0x15: {  	[timem:s7], [sflag:s23] =	dma.local [hbm:s5], s21  }
0x16: {  	_ =	swait.ge [sflag:s23], s21  }
0x17: {  	s4 =	ssub.s32 $0x0, s21;
	[sflag:s23] =	ssyncset.done $0x0  }
0x18: {  	[sflag:s23] =	ssyncadd.s32 s4;
	_ =	sdelay $0x1  }
0x19: {  	s24 =	simm.s32 $0x1B8B  }
0x1a: {  	_ =	swait.ge [sflag:s24], $0x1  }
0x1b: {  	[sflag:s24] =	ssyncset.done $0x0  }
0x1c: {  	s26 =	simm.s32 $0x1B8E;
	s25 =	sld [smem:$0x3FFE];
	[sflag:s24] =	ssyncadd.s32 $0xFFFFFFFF  }
0x1d: {  	s27 =	simm.s32 $execute0_lowered;
	[smem:$0x3FD2] =	sst s26  }
0x1e: {  	s5 =	sshll.u32 s27, $0x1;
	_ =	strace $0x80000049;
	[dreg:$0x1] =	wrdreg $0xFFFFFFFF  }
0x1f: {  	s28 =	simm.s32 $_size_execute0_lowered;
	s3 =	sadd.s32 s3, s5;
	[dreg:$0x0] =	wrdreg $0x0  }
0x20: {  	s5 =	sshll.u32 s28, $0x1;
	[dreg:$0x2] =	wrdreg s3  }
0x21: {  	[dreg:$0x3] =	wrdreg s5  }
0x22: {  	[dreg:$0x4] =	wrdreg $0xC0  }
0x23: {  	_ =	task [dreg:s7], $0x5FFFF  }
0x24: {  	[dreg:$0x1] =	wrdreg $0xFFFFFFFF  }
0x25: {  	[dreg:$0x0] =	wrdreg $0x60  }
0x26: {  	[dreg:$0x2] =	wrdreg s25  }
0x27: {  	[dreg:$0x3] =	wrdreg s2  }
0x28: {  	[dreg:$0x4] =	wrdreg $0x9  }
0x29: {  	_ =	task.clear_ibuf [dreg:s7], $0x5FFFF;
	_ =	strace $0x90000049  }
0x2a: {  	s29 =	simm.s32 $0x9;
	_ =	strace $0x8000004B  }
0x2b: {  	_ =	swait.ge [sflag:s29], $0x1  }
0x2c: {  	[sflag:s29] =	ssyncadd.s32 $0xFFFFFFFF  }
0x2d: {  	_ =	strace $0x9000004B  }
0x2e: {  	_ =	sfence  }
0x2f: {  	s30 =	sld [smem:$0x0];
	_ =	sdelay $0x2  }
0x30: {  	s31 =	sshll.u32 s1, $0xD;
	s1 =	sshrl.u32 s1, $0x2  }
0x31: {  	s3 =	sand.u32 $0x4000, s31;
	s1 =	sadd.s32 s1, s30  }
0x32: {  	s0 =	sor.u32 s3, s0;
	s1 =	sshll.u32 s1, $0x11  }
0x33: {  	s0 =	sor.u32 s1, s0  }
0x34: {  	s0 =	sadd.s32 $0x8F2B, s0  }
0x35: {  	[sflag:s0] =	ssyncadd.remote.s32 $0x1  }
0x36: {  	_ =	sfence.sel $0xFFFF  }
0x37: {  	[dreg:$0x0] =	wrdreg $0xFFFFFFFF;
	(pc) =	sbr.abs _section_cstart, $3  }
0x38: {  	[dreg:$0x1] =	wrdreg $0xFFFFFFFF  }
0x39: {  	_ =	task.clear_ibuf [dreg:s7], $0x2FFFF;
	_ =	strace $0x9FFFFFFF  }
0x3a: {  	(tm) =	ssettm $0x7FFFFFFF  }
0x3b: {  	_ =	shalt  }
tec
execute0_lowered:
.L_overlay_start_1:
0x0: {  	(tag) =	ssettag $0x1  }
0x1: {  	s0 =	srdreg.scid  }
0x2: {  	s1 =	sshll.u32 s0, $0x4  }
0x3: {  	s0 =	stileid.u32;
	s1 =	sand.u32 $0x10, s1  }
0x4: {  	s1 =	sor.u32 s0, s1  }
0x5: {  	s6 =	rddreg [dreg:$0x0];
	s4 =	simm.s32 $0x1;
	s2 =	sshll.u32 s1, $0x7  }
0x6: {  	s7 =	simm.s32 $0x2;
	s12 =	simm.s32 $0x0;
	s1 =	ssub.s32 $0x1000, s2  }
0x7: {  	s8 =	simm.s32 $0x8000;
	s13 =	simm.s32 $0x0;
	s3 =	sand.u32 $0xF80, s1  }
0x8: {  	s9 =	simm.s32 $0x0;
	s5 =	sshrl.u32 s1, $0xC;
	p0 =	sne.s32 s3, $0x0  }
.Ltmp0:
0x9: {  	s1 =	rddreg [dreg:$0x2];
	s4 =	simm.s32 @!p0 $0x0;
	(pc) =	sbr.rel .LBB1_1-.Ltmp0, $4  }
0xa: {  	s11 =	simm.s32 $0x0;
	s3 =	rddreg [dreg:$0x1];
	s5 =	sadd.s32 s4, s5  }
0xb: {  	_ =	strace $0x8000004A;
	s4 =	simm.s32 $0x1;
	s5 =	smul.u32 $0xC8, s5  }
0xc: {  	s6 =	sadd.s32 $0xC00, s6;
	s10 =	smov.u32 s2;
	[sflag:s4] =	ssyncpa.u1 $0x0  }
0xd: {  	p0 =	por $0x0, $0x0;
	[sflag:s7] =	ssyncpa.u1 $0x0;
	s7 =	sor.u32 $0x1, s5  }
.LBB1_4:
0xe: {  	s16 =	sshll.u32 s13, $0x3;
	s17 =	sand.u32 $0x78, s13  }
0xf: {  	s30 =	sand.u32 $0x7E00, s13;
	s12 =	sshll.u32 s12, $0xF;
	s16 =	sand.u32 $0xC00, s16  }
0x10: {  	[tilespmem:s15+$0x810 ss:$0x81] =	vst.msk $0xffff, v2;
	s31 =	sand.u32 $0x7, s13;
	s16 =	sor.u32 s17, s16;
	s17 =	sadd.s32 s3, s30  }
0x11: {  	[tilespmem:s15+$0x1020 ss:$0x81] =	vst.msk $0xffff, v0;
	s13 =	sshll.u32 s31, $0x12;
	s12 =	sadd.s32 s12, s17;
	s16 =	sshrl.u32 s16, $0x3  }
0x12: {  	[tilespmem:s15+$0x0 ss:$0x81] =	vst.msk $0xffff, v1;
	s13 =	sor.u32 $0x400, s13;
	s12 =	sadd.s32 s16, s12  }
0x13: {  	[hbm4b:s12+s13] =	stream.strided.scatter [tilespmem:s14], [sflag:$0x2], $0x2000, s8, s13, $0x20;
	[tilespmem:$0x8080] =	vst v63  }
.LBB1_5:
0x14: {  	s14 =	sadd.s32 $0x1, s9  }
0x15: {  	s12 =	sadd.s32 $0x1000, s10;
	s16 =	smov.u32 s10;
	p2 =	sgt.s32 s14, $0xC7  }
0x16: {  	s16 =	smov.u32 @p2 s12  }
0x17: {  	s14 =	simm.s32 @p2 $0x0;
	p2 =	sgt.s32 s16, $0xFFF  }
0x18: {  	s16 =	smov.u32 @p2 s2;
	p2 =	sne.s32 s11, s7  }
.Ltmp1:
0x19: {  	p1 =	slt.u32 s11, $0x2;
	(pc) =	sbr.rel @!p2 .LBB1_6-.Ltmp1, $4  }
0x1a: {  	s15 =	simm.s32 @!p1 $0x2  }
0x1b: {  	s13 =	smov.u32 s10;
	p0 =	por !p0, !p0;
	_ =	swait.ge @!p1 [sflag:s15], $0x2000  }
0x1c: {  	s12 =	smov.u32 s9;
	[sflag:s15] =	ssyncset.done @!p1 $0x0;
	s9 =	smov.u32 s14  }
0x1d: {  	s11 =	sadd.s32 $0x1, s11;
	[sflag:s15] =	ssyncadd.s32 @!p1 $0xFFFFE000;
	s10 =	smov.u32 s16  }
.LBB1_1:
0x1e: {  	p1 =	sge.u32 s11, s5  }
0x1f: {  	s14 =	sand.u32 @!p1 $0x1FFFFFF, s9  }
0x20: {  	s15 =	smulhi.u32 @!p1 $0x147AE15, s14;
	_ =	sdelay $0x1  }
0x21: {  	s15 =	smul.u32 @!p1 $0xC8, s15  }
0x22: {  	s16 =	sxor.u32 @!p1 $0xFFFFFFFF, s11;
	s17 =	smul.u32 @!p1 $0xC80, s10  }
0x23: {  	s31 =	sadd.s32 $0xFFFFFFFF, s11;
	s16 =	sshll.u32 @!p1 s16, $0xD;
	s14 =	ssub.s32 @!p1 s14, s15  }
0x24: {  	s15 =	sand.u32 @!p1 $0x2000, s16;
	s16 =	sadd.s32 @!p1 s6, s17;
	s14 =	sshll.u32 @!p1 s14, $0x4  }
0x25: {  	s17 =	simm.s32 @!p1 $0x6400;
	s14 =	sadd.s32 @!p1 s14, s16;
	s16 =	simm.s32 @!p1 $0x40  }
0x26: {  	[tilespmem:s15], [sflag:$0x1] =	stream.strided.gather @!p1 [hbm4b:s14+s16], $0x2000, s17, s16, $0x38;
	[tilespmem:$0x8080] =	vst v63  }
0x27: {  	p1 =	sge.u32 s31, s5  }
.Ltmp2:
0x28: {  	_ = 	snop;
	(pc) =	sbr.rel @p1 .LBB1_5-.Ltmp2, $1  }
0x29: {  	_ =	sdelay $0x3  }
0x2a: {  	s14 =	simm.s32 $0x1  }
0x2b: {  	_ =	swait.ge [sflag:s4], $0x2000;
	s14 =	simm.s32 @!p0 $0x0  }
0x2c: {  	[sflag:s4] =	ssyncset.done $0x0;
	s15 =	sshll.u32 s14, $0xD  }
0x2d: {  	[sflag:s4] =	ssyncadd.s32 $0xFFFFE000;
	s18 =	sor.u32 $0x20, s15  }
0x2e: {  	s14 =	smul.u32 $0x8100, s14;
	v3 =	vld [tilespmem:s18+$0x10]  }
0x2f: {  	s30 =	sand.u32 $0x1, s11;
	v2 =	vld [tilespmem:s18+$0xFFFFFFF0]  }
0x30: {  	s15 =	smul.u32 $0x8100, s30;
	s14 =	sshrl.u32 s14, $0x2;
	v0 =	vld [tilespmem:s18+$0x0]  }
0x31: {  	v1 =	vld [tilespmem:s18+$0xFFFFFFE0];
	s16 =	sor.u32 $0x4000, s14  }
0x32: {  	s31 =	sshrl.u32 s15, $0x2;
	s15 =	sadd.s32 $0x0, s16  }
0x33: {  	s17 =	simm.s32 $0x4;
	s18 =	sadd.s32 $0x40, s18;
	s14 =	sor.u32 $0x4000, s31;
	[tilespmem:s15+$0x1830 ss:$0x81] =	vst.msk $0xffff, v3  }
.LBB1_3:
0x34: {  	v3 =	vld [tilespmem:s18+$0x10];
	p1 =	sne.s32 s17, $0x1FC;
	[tilespmem:s15+$0x810 ss:$0x81] =	vst.msk $0xffff, v2;
	s19 =	smov.u32 s17;
	s17 =	sadd.s32 $0x4, s17  }
.Ltmp3:
0x35: {  	v2 =	vld [tilespmem:s18+$0xFFFFFFF0];
	[tilespmem:s15+$0x1020 ss:$0x81] =	vst.msk $0xffff, v0;
	(pc) =	sbr.rel @p1 .LBB1_3-.Ltmp3, $4  }
0x36: {  	v0 =	vld [tilespmem:s18+$0x0];
	[tilespmem:s15+$0x0 ss:$0x81] =	vst.msk $0xffff, v1  }
0x37: {  	s15 =	sshra.s32 s19, $0x2;
	v1 =	vld [tilespmem:s18+$0xFFFFFFE0]  }
0x38: {  	s15 =	sadd.s32 s15, s16  }
0x39: {  	s18 =	sadd.s32 $0x40, s18;
	[tilespmem:s15+$0x1830 ss:$0x81] =	vst.msk $0xffff, v3  }
.Ltmp4:
0x3a: {  	_ = 	snop;
	(pc) =	sbr.rel .LBB1_4-.Ltmp4, $1  }
0x3b: {  	_ =	sdelay $0x3  }
.LBB1_6:
0x3c: {  	_ =	sfence.sel $0x180000  }
0x3d: {  	s2 =	simm.s32 $0x1;
	[bflag:$0x0] =	sbarrier.arrive $0xFFFF  }
0x3e: {  	s31 =	simm.s32 $0x2;
	[sflag:s2] =	ssyncpa.u1 $0x1  }
0x3f: {  	[sflag:s31] =	ssyncpa.u1 $0x1  }
0x40: {  	p0 =	sne.s32 s0, $0x0;
	_ =	strace $0x9000004A  }
0x41: {  	s0 =	sadd.s32 @!p0 $0x100000, s1;
	[bflag:$0x2] =	sbarrier.arrive $0xFFFF  }
0x42: {  	[sflag:s0] =	ssyncadd.tile.s32 @!p0 $0x1;
	_ =	shalt  }
.Lfunc_end1:
_tile_overlayer_lowered:
.L_overlay_start_2:
0x43: {  	(tag) =	ssettag $0x2  }
0x44: {  	s0 =	rddreg [dreg:$0x0];
	s2 =	stileid.u32  }
0x45: {  	s1 =	rddreg [dreg:$0x1];
	p0 =	sne.s32 s2, $0x0  }
0x46: {  	s3 =	rddreg [dreg:$0x2];
	[bflag:$0x3] =	sbarrier.arrive $0xFFFF;
	s2 =	simm.s32 @!p0 $0x1C01  }
0x47: {  	[timem:s3], [sflag:s2] =	dma.local @!p0 [hbm:s0], s1  }
0x48: {  	s0 =	simm.s32 @!p0 $0x1  }
0x49: {  	_ =	swait.ge @!p0 [sflag:s0], s1  }
0x4a: {  	s1 =	ssub.s32 @!p0 $0x0, s1;
	[sflag:s0] =	ssyncset.done @!p0 $0x0  }
0x4b: {  	[sflag:s0] =	ssyncadd.s32 @!p0 s1  }
0x4c: {  	[bflag:$0x3] =	sbarrier.arrive $0xFFFF  }
0x4d: {  	_ =	shalt  }

</sc_bundles>
